<compile_context>
chip_gen: v7x
topology: tpu7x:2x2x1
jax: 0.10.2.dev20260603
libtpu: 0.0.44.dev20260713+nightly
codegen_flags: <defaults>
</compile_context>

<pallas_src>
import functools

import jax
import jax.numpy as jnp
from jax import lax
from jax.experimental import pallas as pl
from jax.experimental.pallas import tpu as pltpu
from jax.experimental.pallas import tpu_sc as plsc

N = 10000
D = 128
E = 320000

NUM_CORES = 2
NUM_SUBCORES = 16
NW = NUM_CORES * NUM_SUBCORES

CHUNK = 128
K = 80
KB = 16
NBLK = K // KB
E_PAD = NW * K * CHUNK
NPAD = 10240
ROWS_PER_SUB = NPAD // NUM_SUBCORES
OUT_ROWS_PER_SUB = 624
OUT_TAIL = N - NUM_SUBCORES * OUT_ROWS_PER_SUB


def _sc_aggregate(feats, src2d, dst2d):
    mesh = plsc.VectorSubcoreMesh(core_axis_name="core",
                                  subcore_axis_name="subcore")

    @functools.partial(
        pl.kernel,
        out_type=jax.ShapeDtypeStruct((NUM_CORES, N, D), jnp.float32),
        mesh=mesh,
        scratch_types=[
            pltpu.VMEM((KB, CHUNK), jnp.int32),
            pltpu.VMEM((KB, CHUNK), jnp.int32),
            pltpu.VMEM((CHUNK, D), jnp.float32),
            pltpu.VMEM((CHUNK, D), jnp.float32),
            pltpu.VMEM_SHARED((NPAD, D), jnp.float32),
            pltpu.SemaphoreType.DMA,
            pltpu.SemaphoreType.DMA,
        ],
    )
    def k(feats_hbm, src_hbm, dst_hbm, out_hbm,
          src_v, dst_v, rows0_v, rows1_v, agg_sh, gsem0, gsem1):
        c = lax.axis_index("core")
        s = lax.axis_index("subcore")
        wid = c * NUM_SUBCORES + s

        @pl.loop(0, CHUNK)
        def _(i):
            @pl.loop(0, D, step=16)
            def _(j):
                rows0_v[i, pl.ds(j, 16)] = jnp.zeros((16,), jnp.float32)

        @pl.loop(0, ROWS_PER_SUB // CHUNK)
        def _(t):
            pltpu.sync_copy(rows0_v,
                            agg_sh.at[pl.ds(s * ROWS_PER_SUB + t * CHUNK,
                                            CHUNK)])

        plsc.subcore_barrier()

        @pl.loop(0, NBLK)
        def _(blk):
            base = wid * K + blk * KB
            pltpu.sync_copy(src_hbm.at[pl.ds(base, KB)], src_v)
            pltpu.sync_copy(dst_hbm.at[pl.ds(base, KB)], dst_v)

            pltpu.async_copy(feats_hbm.at[src_v.at[0]], rows0_v, gsem0)
            pltpu.async_copy(feats_hbm.at[src_v.at[1]], rows1_v, gsem1)

            @pl.loop(0, KB, step=2)
            def _(j):
                pltpu.make_async_copy(feats_hbm.at[src_v.at[j]],
                                      rows0_v, gsem0).wait()
                pltpu.sync_copy(rows0_v, agg_sh.at[dst_v.at[j]], add=True)

                @pl.when(j < KB - 2)
                def _():
                    pltpu.async_copy(feats_hbm.at[src_v.at[j + 2]],
                                     rows0_v, gsem0)

                pltpu.make_async_copy(feats_hbm.at[src_v.at[j + 1]],
                                      rows1_v, gsem1).wait()
                pltpu.sync_copy(rows1_v, agg_sh.at[dst_v.at[j + 1]],
                                add=True)

                @pl.when(j < KB - 3)
                def _():
                    pltpu.async_copy(feats_hbm.at[src_v.at[j + 3]],
                                     rows1_v, gsem1)

        plsc.subcore_barrier()

        pltpu.sync_copy(agg_sh.at[pl.ds(s * OUT_ROWS_PER_SUB,
                                        OUT_ROWS_PER_SUB)],
                        out_hbm.at[c, pl.ds(s * OUT_ROWS_PER_SUB,
                                            OUT_ROWS_PER_SUB)])

        @pl.when(s == 0)
        def _():
            pltpu.sync_copy(
                agg_sh.at[pl.ds(NUM_SUBCORES * OUT_ROWS_PER_SUB, OUT_TAIL)],
                out_hbm.at[c, pl.ds(NUM_SUBCORES * OUT_ROWS_PER_SUB,
                                    OUT_TAIL)])

    return k(feats, src2d, dst2d)


def _tc_body(feats_ref, a0_ref, a1_ref, w_ref, b_ref, out_ref):
    rst = feats_ref[...] + a0_ref[...] + a1_ref[...]
    y = lax.dot_general(rst, w_ref[...], (((1,), (1,)), ((), ())),
                        precision=lax.Precision.HIGHEST,
                        preferred_element_type=jnp.float32)
    y = y + b_ref[...]
    out_ref[...] = jnp.where(y > 0, y, jnp.exp(y) - 1.0)


def _tc_finish(feats, agg, W, b):
    BLK = 2000
    grid = (N // BLK,)
    b2 = b.reshape(1, D)
    return pl.pallas_call(
        _tc_body,
        grid=grid,
        in_specs=[
            pl.BlockSpec((BLK, D), lambda i: (i, 0)),
            pl.BlockSpec((BLK, D), lambda i: (i, 0)),
            pl.BlockSpec((BLK, D), lambda i: (i, 0)),
            pl.BlockSpec((D, D), lambda i: (0, 0)),
            pl.BlockSpec((1, D), lambda i: (0, 0)),
        ],
        out_specs=pl.BlockSpec((BLK, D), lambda i: (i, 0)),
        out_shape=jax.ShapeDtypeStruct((N, D), jnp.float32),
    )(feats, agg[0], agg[1], W, b2)


def kernel(feats, edge_index, W, b):
    ei = edge_index.astype(jnp.int32)
    pad = E_PAD - E
    src = jnp.concatenate([ei[0], jnp.zeros((pad,), jnp.int32)])
    dst = jnp.concatenate([ei[1], jnp.full((pad,), N, jnp.int32)])
    src2d = src.reshape(NW * K, CHUNK)
    dst2d = dst.reshape(NW * K, CHUNK)
    agg = _sc_aggregate(feats, src2d, dst2d)
    return _tc_finish(feats, agg, W, b)

# --- scband reference (transcript-rebuilt; emitter-appended) ---
"""Pipeline reference for scband-gin-attn-20641612824580 (READ-ONLY COPY).

The authoritative reference and input builder live on the scoring server;
editing this copy changes nothing except your own understanding.
"""

import jax, jax.numpy as jnp
import numpy as np

N = 10000
E = 320000
D = 128

def setup_inputs(seed: int = 0) -> dict:
    key = jax.random.key(seed)
    k1, k2, k3, k4 = jax.random.split(key, 4)
    feats = jax.random.normal(k1, (N, D), dtype=jnp.float32)
    edge_index = jax.random.randint(k2, (2, E), 0, N).astype(jnp.int64)
    # apply_func is nn.Linear(in_feats=128, out_feats=128)
    W = jax.random.normal(k3, (D, D), dtype=jnp.float32) * 0.05
    b = jax.random.normal(k4, (D,), dtype=jnp.float32) * 0.05
    return {"feats": feats, "edge_index": edge_index, "W": W, "b": b}

def reference(feats, edge_index, W, b):
    # GINConv (attn_type='NONE', eps=0): rst = (1+eps)*x + sum_{j in N(i)} x_j
    src = edge_index[0]
    dst = edge_index[1]
    msgs = jnp.take(feats, src, axis=0)                     # gather over edges
    agg = jax.ops.segment_sum(msgs, dst, num_segments=N)    # scatter-add to dst nodes
    rst = feats + agg
    out = rst @ W.T + b                                     # apply_func (Linear)
    return jax.nn.elu(out)                                  # activation=F.elu

if __name__ == "__main__":
    import jax
    _d = setup_inputs()
    print(jax.jit(kernel)(*tuple(_d.values())))

</pallas_src>

<mosaic_0001>
#map = affine_map<(d0, d1) -> (0, 0)>
#map1 = affine_map<(d0, d1) -> (0, 0, 0)>
module attributes {stable_mosaic.version = 14 : i64} {
  func.func @k(%arg0: i32, %arg1: i32, %arg2: memref<10000x128xf32, #tpu.memory_space<hbm>>, %arg3: memref<2560x128xi32, #tpu.memory_space<hbm>>, %arg4: memref<2560x128xi32, #tpu.memory_space<hbm>>, %arg5: memref<2x10000x128xf32, #tpu.memory_space<hbm>>, %arg6: memref<16x128xi32, #tpu.memory_space<vmem>>, %arg7: memref<16x128xi32, #tpu.memory_space<vmem>>, %arg8: memref<128x128xf32, #tpu.memory_space<vmem>>, %arg9: memref<128x128xf32, #tpu.memory_space<vmem>>, %arg10: memref<10240x128xf32, #tpu.memory_space<vmem_shared>>, %arg11: memref<!tpu.dma_semaphore, #tpu.memory_space<semaphore_mem>>, %arg12: memref<!tpu.dma_semaphore, #tpu.memory_space<semaphore_mem>>) attributes {dimension_semantics = [#tpu.dimension_semantics<core_parallel>, #tpu.dimension_semantics<subcore_parallel>], iteration_bounds = array<i64: 2, 16>, scalar_prefetch = 0 : i64, scratch_operands = 7 : i64, tpu.core_type = #tpu.core_type<sc_vector_subcore>, window_params = [{transform_indices = #map}, {transform_indices = #map}, {transform_indices = #map}, {transform_indices = #map1}]} {
    %mul3A = arith.constant 16 : i32
    %mul3A_0 = arith.muli %arg0, %mul3A : i32
    %add3A = arith.addi %mul3A_0, %arg1 : i32
    %scan3A = arith.constant 0 : i32
    %scan3A_1 = arith.constant 128 : i32
    %scan3A_2 = arith.addi %scan3A, %scan3A_1 : i32
    %scan3A_3 = arith.constant 1 : i32
    scf.for %scan3A_22 = %scan3A to %scan3A_2 step %scan3A_3  : i32 {
      %mul3A_23 = arith.constant 1 : i32
      %mul3A_24 = arith.muli %scan3A_22, %mul3A_23 : i32
      %add3A_25 = arith.constant 0 : i32
      %add3A_26 = arith.addi %add3A_25, %mul3A_24 : i32
      %scan3A_27 = arith.constant 0 : i32
      %scan3A_28 = arith.constant 8 : i32
      %scan3A_29 = arith.addi %scan3A_27, %scan3A_28 : i32
      %scan3A_30 = arith.constant 1 : i32
      scf.for %scan3A_32 = %scan3A_27 to %scan3A_29 step %scan3A_30  : i32 {
        %mul3A_33 = arith.constant 16 : i32
        %mul3A_34 = arith.muli %scan3A_32, %mul3A_33 : i32
        %add3A_35 = arith.constant 0 : i32
        %add3A_36 = arith.addi %add3A_35, %mul3A_34 : i32
        %broadcast_in_dim3A = arith.constant 0.000000e+00 : f32
        %broadcast_in_dim3A_37 = vector.broadcast %broadcast_in_dim3A : f32 to vector<16xf32>
        %swap3A = arith.index_cast %add3A_26 : i32 to index
        %swap3A_38 = arith.index_cast %add3A_36 : i32 to index
        %swap3A_39 = tpu.vector_load %arg8[%swap3A, %swap3A_38] {strides = array<i32>} : memref<128x128xf32, #tpu.memory_space<vmem>>, vector<1x16xf32>,
        %swap3A_40 = vector.shape_cast %swap3A_39 : vector<1x16xf32> to vector<16xf32>
        %swap3A_41 = vector.shape_cast %broadcast_in_dim3A_37 : vector<16xf32> to vector<1x16xf32>
        tpu.vector_store %arg8[%swap3A, %swap3A_38], %swap3A_41 {strides = array<i32>} : memref<128x128xf32, #tpu.memory_space<vmem>>, vector<1x16xf32>,
      }
      %scan3A_31 = arith.constant 8 : i32
    }
    %scan3A_4 = arith.constant 128 : i32
    %scan3A_5 = arith.constant 0 : i32
    %scan3A_6 = arith.constant 5 : i32
    %scan3A_7 = arith.addi %scan3A_5, %scan3A_6 : i32
    %scan3A_8 = arith.constant 1 : i32
    scf.for %scan3A_22 = %scan3A_5 to %scan3A_7 step %scan3A_8  : i32 {
      %mul3A_23 = arith.constant 1 : i32
      %mul3A_24 = arith.muli %scan3A_22, %mul3A_23 : i32
      %add3A_25 = arith.constant 0 : i32
      %add3A_26 = arith.addi %add3A_25, %mul3A_24 : i32
      %mul3A_27 = arith.constant 640 : i32
      %mul3A_28 = arith.muli %arg1, %mul3A_27 : i32
      %mul3A_29 = arith.constant 128 : i32
      %mul3A_30 = arith.muli %add3A_26, %mul3A_29 : i32
      %add3A_31 = arith.addi %mul3A_28, %mul3A_30 : i32
      "tpu.region"() ({
        %run_scoped3A = tpu.sem_alloc : memref<!tpu.dma_semaphore, #tpu.memory_space<semaphore_mem>>
        %dma_start3A = arith.constant 0 : i32
        %dma_start3A_32 = tpu.memref_slice %arg10[%add3A_31, %dma_start3A] : memref<10240x128xf32, #tpu.memory_space<vmem_shared>> -> memref<128x128xf32, #tpu.memory_space<vmem_shared>>
        %dma_start3A_33 = arith.constant 0 : i32
        %dma_start3A_34 = tpu.memref_slice %arg10[%add3A_31, %dma_start3A_33] : memref<10240x128xf32, #tpu.memory_space<vmem_shared>> -> memref<128x128xf32, #tpu.memory_space<vmem_shared>>
        tpu.enqueue_dma source(%arg8 : memref<128x128xf32, #tpu.memory_space<vmem>>) target(%dma_start3A_34 : memref<128x128xf32, #tpu.memory_space<vmem_shared>>) target_semaphore(%run_scoped3A : memref<!tpu.dma_semaphore, #tpu.memory_space<semaphore_mem>>)
        %dma_wait3A = arith.constant 0 : i32
        %dma_wait3A_35 = tpu.memref_slice %arg10[%add3A_31, %dma_wait3A] : memref<10240x128xf32, #tpu.memory_space<vmem_shared>> -> memref<128x128xf32, #tpu.memory_space<vmem_shared>>
        %dma_wait3A_36 = arith.constant 0 : i32
        %dma_wait3A_37 = tpu.memref_slice %arg10[%add3A_31, %dma_wait3A_36] : memref<10240x128xf32, #tpu.memory_space<vmem_shared>> -> memref<128x128xf32, #tpu.memory_space<vmem_shared>>
        tpu.wait_dma2 semaphore(%run_scoped3A : memref<!tpu.dma_semaphore, #tpu.memory_space<semaphore_mem>>) src(%arg8 : memref<128x128xf32, #tpu.memory_space<vmem>>) dst(%dma_wait3A_37 : memref<128x128xf32, #tpu.memory_space<vmem_shared>>)
        tpu.yield
      }) : () -> ()
    }
    %scan3A_9 = arith.constant 5 : i32
    %barrier3A = arith.constant 0 : index
    tpu.barrier barrier_id(%barrier3A)
    %scan3A_10 = arith.constant 0 : i32
    %scan3A_11 = arith.constant 5 : i32
    %scan3A_12 = arith.addi %scan3A_10, %scan3A_11 : i32
    %scan3A_13 = arith.constant 1 : i32
    scf.for %scan3A_22 = %scan3A_10 to %scan3A_12 step %scan3A_13  : i32 {
      %mul3A_23 = arith.constant 1 : i32
      %mul3A_24 = arith.muli %scan3A_22, %mul3A_23 : i32
      %add3A_25 = arith.constant 0 : i32
      %add3A_26 = arith.addi %add3A_25, %mul3A_24 : i32
      %mul3A_27 = arith.constant 80 : i32
      %mul3A_28 = arith.muli %add3A, %mul3A_27 : i32
      %mul3A_29 = arith.constant 16 : i32
      %mul3A_30 = arith.muli %add3A_26, %mul3A_29 : i32
      %add3A_31 = arith.addi %mul3A_28, %mul3A_30 : i32
      "tpu.region"() ({
        %run_scoped3A = tpu.sem_alloc : memref<!tpu.dma_semaphore, #tpu.memory_space<semaphore_mem>>
        %dma_start3A_50 = arith.constant 0 : i32
        %dma_start3A_51 = tpu.memref_slice %arg3[%add3A_31, %dma_start3A_50] : memref<2560x128xi32, #tpu.memory_space<hbm>> -> memref<16x128xi32, #tpu.memory_space<hbm>>
        %dma_start3A_52 = arith.constant 0 : i32
        %dma_start3A_53 = tpu.memref_slice %arg3[%add3A_31, %dma_start3A_52] : memref<2560x128xi32, #tpu.memory_space<hbm>> -> memref<16x128xi32, #tpu.memory_space<hbm>>
        tpu.enqueue_dma source(%dma_start3A_53 : memref<16x128xi32, #tpu.memory_space<hbm>>) target(%arg6 : memref<16x128xi32, #tpu.memory_space<vmem>>) target_semaphore(%run_scoped3A : memref<!tpu.dma_semaphore, #tpu.memory_space<semaphore_mem>>)
        %dma_wait3A = arith.constant 0 : i32
        %dma_wait3A_54 = tpu.memref_slice %arg3[%add3A_31, %dma_wait3A] : memref<2560x128xi32, #tpu.memory_space<hbm>> -> memref<16x128xi32, #tpu.memory_space<hbm>>
        %dma_wait3A_55 = arith.constant 0 : i32
        %dma_wait3A_56 = tpu.memref_slice %arg3[%add3A_31, %dma_wait3A_55] : memref<2560x128xi32, #tpu.memory_space<hbm>> -> memref<16x128xi32, #tpu.memory_space<hbm>>
        tpu.wait_dma2 semaphore(%run_scoped3A : memref<!tpu.dma_semaphore, #tpu.memory_space<semaphore_mem>>) src(%dma_wait3A_56 : memref<16x128xi32, #tpu.memory_space<hbm>>) dst(%arg6 : memref<16x128xi32, #tpu.memory_space<vmem>>)
        tpu.yield
      }) : () -> ()
      "tpu.region"() ({
        %run_scoped3A = tpu.sem_alloc : memref<!tpu.dma_semaphore, #tpu.memory_space<semaphore_mem>>
        %dma_start3A_50 = arith.constant 0 : i32
        %dma_start3A_51 = tpu.memref_slice %arg4[%add3A_31, %dma_start3A_50] : memref<2560x128xi32, #tpu.memory_space<hbm>> -> memref<16x128xi32, #tpu.memory_space<hbm>>
        %dma_start3A_52 = arith.constant 0 : i32
        %dma_start3A_53 = tpu.memref_slice %arg4[%add3A_31, %dma_start3A_52] : memref<2560x128xi32, #tpu.memory_space<hbm>> -> memref<16x128xi32, #tpu.memory_space<hbm>>
        tpu.enqueue_dma source(%dma_start3A_53 : memref<16x128xi32, #tpu.memory_space<hbm>>) target(%arg7 : memref<16x128xi32, #tpu.memory_space<vmem>>) target_semaphore(%run_scoped3A : memref<!tpu.dma_semaphore, #tpu.memory_space<semaphore_mem>>)
        %dma_wait3A = arith.constant 0 : i32
        %dma_wait3A_54 = tpu.memref_slice %arg4[%add3A_31, %dma_wait3A] : memref<2560x128xi32, #tpu.memory_space<hbm>> -> memref<16x128xi32, #tpu.memory_space<hbm>>
        %dma_wait3A_55 = arith.constant 0 : i32
        %dma_wait3A_56 = tpu.memref_slice %arg4[%add3A_31, %dma_wait3A_55] : memref<2560x128xi32, #tpu.memory_space<hbm>> -> memref<16x128xi32, #tpu.memory_space<hbm>>
        tpu.wait_dma2 semaphore(%run_scoped3A : memref<!tpu.dma_semaphore, #tpu.memory_space<semaphore_mem>>) src(%dma_wait3A_56 : memref<16x128xi32, #tpu.memory_space<hbm>>) dst(%arg7 : memref<16x128xi32, #tpu.memory_space<vmem>>)
        tpu.yield
      }) : () -> ()
      %dma_start3A = arith.constant 0 : i32
      %dma_start3A_32 = arith.constant 0 : i32
      %dma_start3A_33 = tpu.memref_slice %arg6[%dma_start3A, %dma_start3A_32] : memref<16x128xi32, #tpu.memory_space<vmem>> -> memref<1x128xi32, #tpu.memory_space<vmem>>
      %dma_start3A_34 = tpu.memref_squeeze %dma_start3A_33 : memref<1x128xi32, #tpu.memory_space<vmem>> -> memref<128xi32, #tpu.memory_space<vmem>>
      %dma_start3A_35 = arith.constant 0 : i32
      %dma_start3A_36 = arith.constant 0 : i32
      %dma_start3A_37 = tpu.memref_slice %arg2[%dma_start3A_35, %dma_start3A_36] : memref<10000x128xf32, #tpu.memory_space<hbm>> -> memref<10000x128xf32, #tpu.memory_space<hbm>>
      tpu.enqueue_indirect_dma source(%dma_start3A_37 : memref<10000x128xf32, #tpu.memory_space<hbm>>) target(%arg8 : memref<128x128xf32, #tpu.memory_space<vmem>>) offsets(%dma_start3A_34 : memref<128xi32, #tpu.memory_space<vmem>>) semaphore(%arg11 : memref<!tpu.dma_semaphore, #tpu.memory_space<semaphore_mem>>)
      %dma_start3A_38 = arith.constant 1 : i32
      %dma_start3A_39 = arith.constant 0 : i32
      %dma_start3A_40 = tpu.memref_slice %arg6[%dma_start3A_38, %dma_start3A_39] : memref<16x128xi32, #tpu.memory_space<vmem>> -> memref<1x128xi32, #tpu.memory_space<vmem>>
      %dma_start3A_41 = tpu.memref_squeeze %dma_start3A_40 : memref<1x128xi32, #tpu.memory_space<vmem>> -> memref<128xi32, #tpu.memory_space<vmem>>
      %dma_start3A_42 = arith.constant 0 : i32
      %dma_start3A_43 = arith.constant 0 : i32
      %dma_start3A_44 = tpu.memref_slice %arg2[%dma_start3A_42, %dma_start3A_43] : memref<10000x128xf32, #tpu.memory_space<hbm>> -> memref<10000x128xf32, #tpu.memory_space<hbm>>
      tpu.enqueue_indirect_dma source(%dma_start3A_44 : memref<10000x128xf32, #tpu.memory_space<hbm>>) target(%arg9 : memref<128x128xf32, #tpu.memory_space<vmem>>) offsets(%dma_start3A_41 : memref<128xi32, #tpu.memory_space<vmem>>) semaphore(%arg12 : memref<!tpu.dma_semaphore, #tpu.memory_space<semaphore_mem>>)
      %scan3A_45 = arith.constant 0 : i32
      %scan3A_46 = arith.constant 8 : i32
      %scan3A_47 = arith.addi %scan3A_45, %scan3A_46 : i32
      %scan3A_48 = arith.constant 1 : i32
      scf.for %scan3A_50 = %scan3A_45 to %scan3A_47 step %scan3A_48  : i32 {
        %mul3A_51 = arith.constant 2 : i32
        %mul3A_52 = arith.muli %scan3A_50, %mul3A_51 : i32
        %add3A_53 = arith.constant 0 : i32
        %add3A_54 = arith.addi %add3A_53, %mul3A_52 : i32
        %dma_wait3A = arith.constant 0 : i32
        %dma_wait3A_55 = tpu.memref_slice %arg6[%add3A_54, %dma_wait3A] : memref<16x128xi32, #tpu.memory_space<vmem>> -> memref<1x128xi32, #tpu.memory_space<vmem>>
        %dma_wait3A_56 = tpu.memref_squeeze %dma_wait3A_55 : memref<1x128xi32, #tpu.memory_space<vmem>> -> memref<128xi32, #tpu.memory_space<vmem>>
        %dma_wait3A_57 = arith.constant 0 : i32
        %dma_wait3A_58 = arith.constant 0 : i32
        %dma_wait3A_59 = tpu.memref_slice %arg2[%dma_wait3A_57, %dma_wait3A_58] : memref<10000x128xf32, #tpu.memory_space<hbm>> -> memref<10000x128xf32, #tpu.memory_space<hbm>>
        tpu.wait_indirect_dma semaphore(%arg11 : memref<!tpu.dma_semaphore, #tpu.memory_space<semaphore_mem>>) src(%dma_wait3A_59 : memref<10000x128xf32, #tpu.memory_space<hbm>>) dst(%arg8 : memref<128x128xf32, #tpu.memory_space<vmem>>)
        "tpu.region"() ({
          %run_scoped3A = tpu.sem_alloc : memref<!tpu.dma_semaphore, #tpu.memory_space<semaphore_mem>>
          %dma_start3A_79 = arith.constant 0 : i32
          %dma_start3A_80 = tpu.memref_slice %arg7[%add3A_54, %dma_start3A_79] : memref<16x128xi32, #tpu.memory_space<vmem>> -> memref<1x128xi32, #tpu.memory_space<vmem>>
          %dma_start3A_81 = tpu.memref_squeeze %dma_start3A_80 : memref<1x128xi32, #tpu.memory_space<vmem>> -> memref<128xi32, #tpu.memory_space<vmem>>
          %dma_start3A_82 = arith.constant 0 : i32
          %dma_start3A_83 = arith.constant 0 : i32
          %dma_start3A_84 = tpu.memref_slice %arg10[%dma_start3A_82, %dma_start3A_83] : memref<10240x128xf32, #tpu.memory_space<vmem_shared>> -> memref<10240x128xf32, #tpu.memory_space<vmem_shared>>
          tpu.enqueue_indirect_dma source(%arg8 : memref<128x128xf32, #tpu.memory_space<vmem>>) target(%dma_start3A_84 : memref<10240x128xf32, #tpu.memory_space<vmem_shared>>) offsets(%dma_start3A_81 : memref<128xi32, #tpu.memory_space<vmem>>) semaphore(%run_scoped3A : memref<!tpu.dma_semaphore, #tpu.memory_space<semaphore_mem>>) {add = true}
          %dma_wait3A_85 = arith.constant 0 : i32
          %dma_wait3A_86 = tpu.memref_slice %arg7[%add3A_54, %dma_wait3A_85] : memref<16x128xi32, #tpu.memory_space<vmem>> -> memref<1x128xi32, #tpu.memory_space<vmem>>
          %dma_wait3A_87 = tpu.memref_squeeze %dma_wait3A_86 : memref<1x128xi32, #tpu.memory_space<vmem>> -> memref<128xi32, #tpu.memory_space<vmem>>
          %dma_wait3A_88 = arith.constant 0 : i32
          %dma_wait3A_89 = arith.constant 0 : i32
          %dma_wait3A_90 = tpu.memref_slice %arg10[%dma_wait3A_88, %dma_wait3A_89] : memref<10240x128xf32, #tpu.memory_space<vmem_shared>> -> memref<10240x128xf32, #tpu.memory_space<vmem_shared>>
          tpu.wait_indirect_dma semaphore(%run_scoped3A : memref<!tpu.dma_semaphore, #tpu.memory_space<semaphore_mem>>) src(%arg8 : memref<128x128xf32, #tpu.memory_space<vmem>>) dst(%dma_wait3A_90 : memref<10240x128xf32, #tpu.memory_space<vmem_shared>>)
          tpu.yield
        }) : () -> ()
        %lt3A = arith.constant 14 : i32
        %lt3A_60 = arith.cmpi slt, %add3A_54, %lt3A : i32
        %convert_element_type3A_61 = arith.extui %lt3A_60 : i1 to i32
        %cond3A_62 = arith.constant 0 : i32
        %cond3A_63 = arith.cmpi ne, %convert_element_type3A_61, %cond3A_62 : i32
        scf.if %cond3A_63 {
          %add3A_79 = arith.constant 2 : i32
          %add3A_80 = arith.addi %add3A_54, %add3A_79 : i32
          %dma_start3A_81 = arith.constant 0 : i32
          %dma_start3A_82 = tpu.memref_slice %arg6[%add3A_80, %dma_start3A_81] : memref<16x128xi32, #tpu.memory_space<vmem>> -> memref<1x128xi32, #tpu.memory_space<vmem>>
          %dma_start3A_83 = tpu.memref_squeeze %dma_start3A_82 : memref<1x128xi32, #tpu.memory_space<vmem>> -> memref<128xi32, #tpu.memory_space<vmem>>
          %dma_start3A_84 = arith.constant 0 : i32
          %dma_start3A_85 = arith.constant 0 : i32
          %dma_start3A_86 = tpu.memref_slice %arg2[%dma_start3A_84, %dma_start3A_85] : memref<10000x128xf32, #tpu.memory_space<hbm>> -> memref<10000x128xf32, #tpu.memory_space<hbm>>
          tpu.enqueue_indirect_dma source(%dma_start3A_86 : memref<10000x128xf32, #tpu.memory_space<hbm>>) target(%arg8 : memref<128x128xf32, #tpu.memory_space<vmem>>) offsets(%dma_start3A_83 : memref<128xi32, #tpu.memory_space<vmem>>) semaphore(%arg11 : memref<!tpu.dma_semaphore, #tpu.memory_space<semaphore_mem>>)
        } else {
        }
        %add3A_64 = arith.constant 1 : i32
        %add3A_65 = arith.addi %add3A_54, %add3A_64 : i32
        %dma_wait3A_66 = arith.constant 0 : i32
        %dma_wait3A_67 = tpu.memref_slice %arg6[%add3A_65, %dma_wait3A_66] : memref<16x128xi32, #tpu.memory_space<vmem>> -> memref<1x128xi32, #tpu.memory_space<vmem>>
        %dma_wait3A_68 = tpu.memref_squeeze %dma_wait3A_67 : memref<1x128xi32, #tpu.memory_space<vmem>> -> memref<128xi32, #tpu.memory_space<vmem>>
        %dma_wait3A_69 = arith.constant 0 : i32
        %dma_wait3A_70 = arith.constant 0 : i32
        %dma_wait3A_71 = tpu.memref_slice %arg2[%dma_wait3A_69, %dma_wait3A_70] : memref<10000x128xf32, #tpu.memory_space<hbm>> -> memref<10000x128xf32, #tpu.memory_space<hbm>>
        tpu.wait_indirect_dma semaphore(%arg12 : memref<!tpu.dma_semaphore, #tpu.memory_space<semaphore_mem>>) src(%dma_wait3A_71 : memref<10000x128xf32, #tpu.memory_space<hbm>>) dst(%arg9 : memref<128x128xf32, #tpu.memory_space<vmem>>)
        %add3A_72 = arith.constant 1 : i32
        %add3A_73 = arith.addi %add3A_54, %add3A_72 : i32
        "tpu.region"() ({
          %run_scoped3A = tpu.sem_alloc : memref<!tpu.dma_semaphore, #tpu.memory_space<semaphore_mem>>
          %dma_start3A_79 = arith.constant 0 : i32
          %dma_start3A_80 = tpu.memref_slice %arg7[%add3A_73, %dma_start3A_79] : memref<16x128xi32, #tpu.memory_space<vmem>> -> memref<1x128xi32, #tpu.memory_space<vmem>>
          %dma_start3A_81 = tpu.memref_squeeze %dma_start3A_80 : memref<1x128xi32, #tpu.memory_space<vmem>> -> memref<128xi32, #tpu.memory_space<vmem>>
          %dma_start3A_82 = arith.constant 0 : i32
          %dma_start3A_83 = arith.constant 0 : i32
          %dma_start3A_84 = tpu.memref_slice %arg10[%dma_start3A_82, %dma_start3A_83] : memref<10240x128xf32, #tpu.memory_space<vmem_shared>> -> memref<10240x128xf32, #tpu.memory_space<vmem_shared>>
          tpu.enqueue_indirect_dma source(%arg9 : memref<128x128xf32, #tpu.memory_space<vmem>>) target(%dma_start3A_84 : memref<10240x128xf32, #tpu.memory_space<vmem_shared>>) offsets(%dma_start3A_81 : memref<128xi32, #tpu.memory_space<vmem>>) semaphore(%run_scoped3A : memref<!tpu.dma_semaphore, #tpu.memory_space<semaphore_mem>>) {add = true}
          %dma_wait3A_85 = arith.constant 0 : i32
          %dma_wait3A_86 = tpu.memref_slice %arg7[%add3A_73, %dma_wait3A_85] : memref<16x128xi32, #tpu.memory_space<vmem>> -> memref<1x128xi32, #tpu.memory_space<vmem>>
          %dma_wait3A_87 = tpu.memref_squeeze %dma_wait3A_86 : memref<1x128xi32, #tpu.memory_space<vmem>> -> memref<128xi32, #tpu.memory_space<vmem>>
          %dma_wait3A_88 = arith.constant 0 : i32
          %dma_wait3A_89 = arith.constant 0 : i32
          %dma_wait3A_90 = tpu.memref_slice %arg10[%dma_wait3A_88, %dma_wait3A_89] : memref<10240x128xf32, #tpu.memory_space<vmem_shared>> -> memref<10240x128xf32, #tpu.memory_space<vmem_shared>>
          tpu.wait_indirect_dma semaphore(%run_scoped3A : memref<!tpu.dma_semaphore, #tpu.memory_space<semaphore_mem>>) src(%arg9 : memref<128x128xf32, #tpu.memory_space<vmem>>) dst(%dma_wait3A_90 : memref<10240x128xf32, #tpu.memory_space<vmem_shared>>)
          tpu.yield
        }) : () -> ()
        %lt3A_74 = arith.constant 13 : i32
        %lt3A_75 = arith.cmpi slt, %add3A_54, %lt3A_74 : i32
        %convert_element_type3A_76 = arith.extui %lt3A_75 : i1 to i32
        %cond3A_77 = arith.constant 0 : i32
        %cond3A_78 = arith.cmpi ne, %convert_element_type3A_76, %cond3A_77 : i32
        scf.if %cond3A_78 {
          %add3A_79 = arith.constant 3 : i32
          %add3A_80 = arith.addi %add3A_54, %add3A_79 : i32
          %dma_start3A_81 = arith.constant 0 : i32
          %dma_start3A_82 = tpu.memref_slice %arg6[%add3A_80, %dma_start3A_81] : memref<16x128xi32, #tpu.memory_space<vmem>> -> memref<1x128xi32, #tpu.memory_space<vmem>>
          %dma_start3A_83 = tpu.memref_squeeze %dma_start3A_82 : memref<1x128xi32, #tpu.memory_space<vmem>> -> memref<128xi32, #tpu.memory_space<vmem>>
          %dma_start3A_84 = arith.constant 0 : i32
          %dma_start3A_85 = arith.constant 0 : i32
          %dma_start3A_86 = tpu.memref_slice %arg2[%dma_start3A_84, %dma_start3A_85] : memref<10000x128xf32, #tpu.memory_space<hbm>> -> memref<10000x128xf32, #tpu.memory_space<hbm>>
          tpu.enqueue_indirect_dma source(%dma_start3A_86 : memref<10000x128xf32, #tpu.memory_space<hbm>>) target(%arg9 : memref<128x128xf32, #tpu.memory_space<vmem>>) offsets(%dma_start3A_83 : memref<128xi32, #tpu.memory_space<vmem>>) semaphore(%arg12 : memref<!tpu.dma_semaphore, #tpu.memory_space<semaphore_mem>>)
        } else {
        }
      }
      %scan3A_49 = arith.constant 8 : i32
    }
    %scan3A_14 = arith.constant 5 : i32
    %barrier3A_15 = arith.constant 0 : index
    tpu.barrier barrier_id(%barrier3A_15)
    %mul3A_16 = arith.constant 624 : i32
    %mul3A_17 = arith.muli %arg1, %mul3A_16 : i32
    %mul3A_18 = arith.constant 624 : i32
    %mul3A_19 = arith.muli %arg1, %mul3A_18 : i32
    "tpu.region"() ({
      %run_scoped3A = tpu.sem_alloc : memref<!tpu.dma_semaphore, #tpu.memory_space<semaphore_mem>>
      %dma_start3A = arith.constant 0 : i32
      %dma_start3A_22 = tpu.memref_slice %arg5[%arg0, %mul3A_19, %dma_start3A] : memref<2x10000x128xf32, #tpu.memory_space<hbm>> -> memref<1x624x128xf32, #tpu.memory_space<hbm>>
      %dma_start3A_23 = tpu.memref_squeeze %dma_start3A_22 : memref<1x624x128xf32, #tpu.memory_space<hbm>> -> memref<624x128xf32, #tpu.memory_space<hbm>>
      %dma_start3A_24 = arith.constant 0 : i32
      %dma_start3A_25 = tpu.memref_slice %arg10[%mul3A_17, %dma_start3A_24] : memref<10240x128xf32, #tpu.memory_space<vmem_shared>> -> memref<624x128xf32, #tpu.memory_space<vmem_shared>>
      tpu.enqueue_dma source(%dma_start3A_25 : memref<624x128xf32, #tpu.memory_space<vmem_shared>>) target(%dma_start3A_23 : memref<624x128xf32, #tpu.memory_space<hbm>>) target_semaphore(%run_scoped3A : memref<!tpu.dma_semaphore, #tpu.memory_space<semaphore_mem>>)
      %dma_wait3A = arith.constant 0 : i32
      %dma_wait3A_26 = tpu.memref_slice %arg5[%arg0, %mul3A_19, %dma_wait3A] : memref<2x10000x128xf32, #tpu.memory_space<hbm>> -> memref<1x624x128xf32, #tpu.memory_space<hbm>>
      %dma_wait3A_27 = tpu.memref_squeeze %dma_wait3A_26 : memref<1x624x128xf32, #tpu.memory_space<hbm>> -> memref<624x128xf32, #tpu.memory_space<hbm>>
      %dma_wait3A_28 = arith.constant 0 : i32
      %dma_wait3A_29 = tpu.memref_slice %arg10[%mul3A_17, %dma_wait3A_28] : memref<10240x128xf32, #tpu.memory_space<vmem_shared>> -> memref<624x128xf32, #tpu.memory_space<vmem_shared>>
      tpu.wait_dma2 semaphore(%run_scoped3A : memref<!tpu.dma_semaphore, #tpu.memory_space<semaphore_mem>>) src(%dma_wait3A_29 : memref<624x128xf32, #tpu.memory_space<vmem_shared>>) dst(%dma_wait3A_27 : memref<624x128xf32, #tpu.memory_space<hbm>>)
      tpu.yield
    }) : () -> ()
    %eq3A = arith.constant 0 : i32
    %eq3A_20 = arith.cmpi eq, %arg1, %eq3A : i32
    %convert_element_type3A = arith.extui %eq3A_20 : i1 to i32
    %cond3A = arith.constant 0 : i32
    %cond3A_21 = arith.cmpi ne, %convert_element_type3A, %cond3A : i32
    scf.if %cond3A_21 {
      "tpu.region"() ({
        %run_scoped3A = tpu.sem_alloc : memref<!tpu.dma_semaphore, #tpu.memory_space<semaphore_mem>>
        %dma_start3A = arith.constant 9984 : i32
        %dma_start3A_22 = arith.constant 0 : i32
        %dma_start3A_23 = tpu.memref_slice %arg5[%arg0, %dma_start3A, %dma_start3A_22] : memref<2x10000x128xf32, #tpu.memory_space<hbm>> -> memref<1x16x128xf32, #tpu.memory_space<hbm>>
        %dma_start3A_24 = tpu.memref_squeeze %dma_start3A_23 : memref<1x16x128xf32, #tpu.memory_space<hbm>> -> memref<16x128xf32, #tpu.memory_space<hbm>>
        %dma_start3A_25 = arith.constant 9984 : i32
        %dma_start3A_26 = arith.constant 0 : i32
        %dma_start3A_27 = tpu.memref_slice %arg10[%dma_start3A_25, %dma_start3A_26] : memref<10240x128xf32, #tpu.memory_space<vmem_shared>> -> memref<16x128xf32, #tpu.memory_space<vmem_shared>>
        tpu.enqueue_dma source(%dma_start3A_27 : memref<16x128xf32, #tpu.memory_space<vmem_shared>>) target(%dma_start3A_24 : memref<16x128xf32, #tpu.memory_space<hbm>>) target_semaphore(%run_scoped3A : memref<!tpu.dma_semaphore, #tpu.memory_space<semaphore_mem>>)
        %dma_wait3A = arith.constant 9984 : i32
        %dma_wait3A_28 = arith.constant 0 : i32
        %dma_wait3A_29 = tpu.memref_slice %arg5[%arg0, %dma_wait3A, %dma_wait3A_28] : memref<2x10000x128xf32, #tpu.memory_space<hbm>> -> memref<1x16x128xf32, #tpu.memory_space<hbm>>
        %dma_wait3A_30 = tpu.memref_squeeze %dma_wait3A_29 : memref<1x16x128xf32, #tpu.memory_space<hbm>> -> memref<16x128xf32, #tpu.memory_space<hbm>>
        %dma_wait3A_31 = arith.constant 9984 : i32
        %dma_wait3A_32 = arith.constant 0 : i32
        %dma_wait3A_33 = tpu.memref_slice %arg10[%dma_wait3A_31, %dma_wait3A_32] : memref<10240x128xf32, #tpu.memory_space<vmem_shared>> -> memref<16x128xf32, #tpu.memory_space<vmem_shared>>
        tpu.wait_dma2 semaphore(%run_scoped3A : memref<!tpu.dma_semaphore, #tpu.memory_space<semaphore_mem>>) src(%dma_wait3A_33 : memref<16x128xf32, #tpu.memory_space<vmem_shared>>) dst(%dma_wait3A_30 : memref<16x128xf32, #tpu.memory_space<hbm>>)
        tpu.yield
      }) : () -> ()
    } else {
    }
    return
  }
}

module attributes {stable_mosaic.version = 14 : i64} {
  func.func @_tc_body(%arg0: i32, %arg1: memref<2000x128xf32, #tpu.memory_space<vmem>>, %arg2: memref<2000x128xf32, #tpu.memory_space<vmem>>, %arg3: memref<2000x128xf32, #tpu.memory_space<vmem>>, %arg4: memref<128x128xf32, #tpu.memory_space<vmem>>, %arg5: memref<1x128xf32, #tpu.memory_space<vmem>>, %arg6: memref<2000x128xf32, #tpu.memory_space<vmem>>) attributes {dimension_semantics = [#tpu.dimension_semantics<arbitrary>], iteration_bounds = array<i64: 5>, scalar_prefetch = 0 : i64, scratch_operands = 0 : i64, tpu.core_type = #tpu.core_type<tc>, window_params = [{transform_indices = @transform_0, window_bounds = array<i64: 2000, 128>}, {transform_indices = @transform_1, window_bounds = array<i64: 2000, 128>}, {transform_indices = @transform_2, window_bounds = array<i64: 2000, 128>}, {pipeline_mode = #tpu.pipeline_mode<synchronous>, transform_indices = @transform_3, window_bounds = array<i64: 128, 128>}, {pipeline_mode = #tpu.pipeline_mode<synchronous>, transform_indices = @transform_4, window_bounds = array<i64: 1, 128>}, {transform_indices = @transform_5, window_bounds = array<i64: 2000, 128>}]} {
    %get3A = arith.constant 0 : index
    %get3A_0 = arith.constant 0 : index
    %get3A_1 = vector.load %arg1[%get3A, %get3A_0] : memref<2000x128xf32, #tpu.memory_space<vmem>>, vector<2000x128xf32>
    %get3A_2 = arith.constant 0 : index
    %get3A_3 = arith.constant 0 : index
    %get3A_4 = vector.load %arg2[%get3A_2, %get3A_3] : memref<2000x128xf32, #tpu.memory_space<vmem>>, vector<2000x128xf32>
    %add3A = arith.addf %get3A_1, %get3A_4 : vector<2000x128xf32>
    %get3A_5 = arith.constant 0 : index
    %get3A_6 = arith.constant 0 : index
    %get3A_7 = vector.load %arg3[%get3A_5, %get3A_6] : memref<2000x128xf32, #tpu.memory_space<vmem>>, vector<2000x128xf32>
    %add3A_8 = arith.addf %add3A, %get3A_7 : vector<2000x128xf32>
    %get3A_9 = arith.constant 0 : index
    %get3A_10 = arith.constant 0 : index
    %get3A_11 = vector.load %arg4[%get3A_9, %get3A_10] : memref<128x128xf32, #tpu.memory_space<vmem>>, vector<128x128xf32>
    %dot_general3A = arith.constant dense<0.000000e+00> : vector<2000x128xf32>
    %dot_general3A_12 = tpu.matmul %add3A_8, %get3A_11, %dot_general3A {dimension_numbers = #tpu.dot_dimension_numbers<[1], [1], [0], [0], [0, 0, 1, 0], [], []>, precision = #tpu.contract_precision<fp32>, transpose_lhs_hint = false} : vector<2000x128xf32>, vector<128x128xf32>, vector<2000x128xf32> -> vector<2000x128xf32>
    %get3A_13 = arith.constant 0 : index
    %get3A_14 = arith.constant 0 : index
    %get3A_15 = vector.load %arg5[%get3A_13, %get3A_14] : memref<1x128xf32, #tpu.memory_space<vmem>>, vector<1x128xf32>
    %add3A_16 = vector.broadcast %get3A_15 : vector<1x128xf32> to vector<2000x128xf32>
    %add3A_17 = arith.addf %dot_general3A_12, %add3A_16 : vector<2000x128xf32>
    %gt3A = arith.constant 0.000000e+00 : f32
    %gt3A_18 = vector.broadcast %gt3A : f32 to vector<2000x128xf32>
    %gt3A_19 = arith.cmpf ogt, %add3A_17, %gt3A_18 : vector<2000x128xf32>
    %exp3A = math.exp %add3A_17 : vector<2000x128xf32>
    %sub3A = arith.constant 1.000000e+00 : f32
    %sub3A_20 = vector.broadcast %sub3A : f32 to vector<2000x128xf32>
    %sub3A_21 = arith.subf %exp3A, %sub3A_20 : vector<2000x128xf32>
    %select_n3A = arith.select %gt3A_19, %add3A_17, %sub3A_21 : vector<2000x128xi1>, vector<2000x128xf32>
    %swap3A = arith.constant 0 : index
    %swap3A_22 = arith.constant 0 : index
    %swap3A_23 = vector.load %arg6[%swap3A, %swap3A_22] : memref<2000x128xf32, #tpu.memory_space<vmem>>, vector<2000x128xf32>
    tpu.vector_store %arg6[%swap3A, %swap3A_22], %select_n3A {strides = array<i32>} : memref<2000x128xf32, #tpu.memory_space<vmem>>, vector<2000x128xf32>,
    return
  }
  func.func @transform_0(%arg0: i32) -> (i32, i32) {
    %c0_i32 = arith.constant 0 : i32
    %c0_i32_0 = arith.constant 0 : i32
    return %arg0, %c0_i32 : i32, i32
  }
  func.func @transform_1(%arg0: i32) -> (i32, i32) {
    %c0_i32 = arith.constant 0 : i32
    %c0_i32_0 = arith.constant 0 : i32
    return %arg0, %c0_i32 : i32, i32
  }
  func.func @transform_2(%arg0: i32) -> (i32, i32) {
    %c0_i32 = arith.constant 0 : i32
    %c0_i32_0 = arith.constant 0 : i32
    return %arg0, %c0_i32 : i32, i32
  }
  func.func @transform_3(%arg0: i32) -> (i32, i32) {
    %c0_i32 = arith.constant 0 : i32
    %c0_i32_0 = arith.constant 0 : i32
    %c0_i32_1 = arith.constant 0 : i32
    return %c0_i32, %c0_i32_0 : i32, i32
  }
  func.func @transform_4(%arg0: i32) -> (i32, i32) {
    %c0_i32 = arith.constant 0 : i32
    %c0_i32_0 = arith.constant 0 : i32
    %c0_i32_1 = arith.constant 0 : i32
    return %c0_i32, %c0_i32_0 : i32, i32
  }
  func.func @transform_5(%arg0: i32) -> (i32, i32) {
    %c0_i32 = arith.constant 0 : i32
    %c0_i32_0 = arith.constant 0 : i32
    return %arg0, %c0_i32 : i32, i32
  }
}

</mosaic_0001>

<sc_bundles>
// kernel: kernel.4.cloned.1.call-start
scs
__scs_entry_jumppad:
0x0: {  	(pc) =	sbr.rel $0x88, $3  }
0x1: {  	(tag) =	ssettag $0x0;
	lr =	simm.s32 $0x1  }
0x2: {  	[smem:$0x3F9D] =	sst lr;
	_ =	strace $0xD0000000  }
0x3: {  	_ = 	snop  }
0x4: {  	_ = 	snop  }
0x5: {  	_ = 	snop  }
0x6: {  	_ = 	snop  }
0x7: {  	_ = 	snop  }
__scs_overlays_trampoline_lowered:
0x8: {  	[smem:$0x3FAC] =	sst s0  }
0x9: {  	[smem:$0x3FAD] =	sst s1  }
0xa: {  	[smem:$0x3FAE] =	sst s2  }
0xb: {  	[smem:$0x3FAF] =	sst s3  }
0xc: {  	[smem:$0x3FB0] =	sst s4  }
0xd: {  	[smem:$0x3FB1] =	sst s5  }
0xe: {  	[smem:$0x3FB2] =	sst s6  }
0xf: {  	[smem:$0x3FB3] =	sst s7  }
0x10: {  	[smem:$0x3FB4] =	sst s8  }
0x11: {  	[smem:$0x3FB5] =	sst s9;
	s0 =	simm.s32 @!p0 $0x0  }
0x12: {  	s1 =	sld [smem:$0x3F9B];
	s0 =	simm.s32 @p0 $0x1  }
0x13: {  	[smem:$0x3FB6] =	sst s0;
	s0 =	simm.s32 @!p1 $0x0  }
0x14: {  	s2 =	sld [smem:$0x3F9A];
	s0 =	simm.s32 @p1 $0x1  }
0x15: {  	[smem:$0x3FB7] =	sst s0;
	s0 =	simm.s32 @!p2 $0x0  }
0x16: {  	s3 =	sld [smem:$0x3FDB];
	s0 =	simm.s32 @p2 $0x1  }
0x17: {  	s4 =	simm.s32 $0x1BF5;
	[smem:$0x3FB9] =	sst s0  }
0x18: {  	s0 =	sld [smem:$0x3F9C];
	_ =	swait.ge [sflag:s4], $0x0  }
0x19: {  	s7 =	sld [smem:$0x3F9D]  }
0x1a: {  	s8 =	sadd.s32 $0xFFFFE003, lr  }
0x1b: {  	s9 =	sadd.s32 $0xFFFFFEF7, lr;
	s5 =	simm.s32 $0xFFFFFFFF;
	p2 =	slt.u32 s8, $0xFFFFF086  }
0x1c: {  	p1 =	slt.u32 s9, $0xF7A;
	s5 =	simm.s32 @!p2 $0x0  }
0x1d: {  	s5 =	simm.s32 @p1 $0x1;
	p0 =	seq.s32 s7, s2  }
0x1e: {  	s7 =	smul.u32 @!p0 $0xF7A, s2;
	p2 =	seq.s32 @!p0 s5, $0x0  }
0x1f: {  	s9 =	smul.u32 $0xF7A, s1;
	s8 =	simm.s32 @!p0 $0x1BF5;
	p2 =	por !p2, p0  }
0x20: {  	[sflag:s8] =	ssyncset.s32 @!p0 $0xFFFFF086;
	s6 =	sadd.s32 @!p0 s3, s7;
	s7 =	simm.s32 @!p0 $0x108  }
0x21: {  	s3 =	sadd.s32 s3, s9;
	s6 =	sadd.s32 @!p0 $0x88, s6;
	s7 =	simm.s32 @p2 $0x1082  }
0x22: {  	[simem:s7], [sflag:s8] =	dma.local @!p0 [hbm:s6], $0xF7A  }
0x23: {  	s9 =	sor.u32 $0xD0000000, s2;
	s6 =	simm.s32 $0x108;
	_ =	swait.ge @!p0 [sflag:s8], $0x0  }
0x24: {  	s3 =	sadd.s32 $0x88, s3;
	s6 =	simm.s32 @!p1 $0x1082;
	[sflag:s4] =	ssyncset.s32 $0xFFFFF086  }
0x25: {  	[simem:s6], [sflag:s4] =	dma.local [hbm:s3], $0xF7A  }
0x26: {  	[smem:$0x3F9D] =	sst s1;
	(tag) =	ssettag s2;
	_ =	strace s9  }
0x27: {  	s1 =	sld [smem:$0x3FAD]  }
0x28: {  	s2 =	sld [smem:$0x3FAE]  }
0x29: {  	s4 =	sld [smem:$0x3FB0]  }
0x2a: {  	p0 =	seq.s32 s5, $0x0;
	s5 =	sld [smem:$0x3FB1]  }
0x2b: {  	s6 =	sld [smem:$0x3FB2]  }
0x2c: {  	s7 =	sld [smem:$0x3FB3]  }
0x2d: {  	s3 =	simm.s32 $0x108;
	s8 =	sld [smem:$0x3FB4]  }
0x2e: {  	s3 =	simm.s32 @!p0 $0x1082;
	s9 =	sld [smem:$0x3FB5]  }
0x2f: {  	lr =	sadd.s32 s0, s3;
	s0 =	sld [smem:$0x3FAC]  }
0x30: {  	s3 =	sld [smem:$0x3FAF]  }
0x31: {  	[smem:$0x3FB8] =	sst s10  }
0x32: {  	s10 =	sld [smem:$0x3FB6];
	_ =	sdelay $0x3  }
0x33: {  	p0 =	seq.s32 s10, $0x1;
	s10 =	sld [smem:$0x3FB8];
	_ =	sdelay $0x3  }
0x34: {  	[smem:$0x3FB8] =	sst s10  }
0x35: {  	s10 =	sld [smem:$0x3FB7];
	_ =	sdelay $0x3  }
0x36: {  	p1 =	seq.s32 s10, $0x1;
	s10 =	sld [smem:$0x3FB8];
	_ =	sdelay $0x3  }
0x37: {  	[smem:$0x3FB8] =	sst s10  }
0x38: {  	s10 =	sld [smem:$0x3FB9]  }
0x39: {  	_ = 	snop;
	(pc) =	sbr.ind lr, $3  }
0x3a: {  	_ = 	snop  }
0x3b: {  	_ = 	snop  }
0x3c: {  	p2 =	seq.s32 s10, $0x1;
	s10 =	sld [smem:$0x3FB8]  }
0x3d: {  	_ =	shalt  }
0x3e: {  	_ =	shalt  }
0x3f: {  	_ =	shalt  }
0x40: {  	_ =	shalt  }
0x41: {  	_ =	shalt  }
0x42: {  	_ =	shalt  }
0x43: {  	_ =	shalt  }
0x44: {  	_ =	shalt  }
0x45: {  	_ =	shalt  }
0x46: {  	_ =	shalt  }
0x47: {  	_ =	shalt  }
0x48: {  	_ =	shalt  }
0x49: {  	_ =	shalt  }
0x4a: {  	_ =	shalt  }
0x4b: {  	_ =	shalt  }
0x4c: {  	_ =	shalt  }
0x4d: {  	_ =	shalt  }
0x4e: {  	_ =	shalt  }
0x4f: {  	_ =	shalt  }
0x50: {  	_ =	shalt  }
0x51: {  	_ =	shalt  }
0x52: {  	_ =	shalt  }
0x53: {  	_ =	shalt  }
0x54: {  	_ =	shalt  }
0x55: {  	_ =	shalt  }
0x56: {  	_ =	shalt  }
0x57: {  	_ =	shalt  }
0x58: {  	_ =	shalt  }
0x59: {  	_ =	shalt  }
0x5a: {  	_ =	shalt  }
0x5b: {  	_ =	shalt  }
0x5c: {  	_ =	shalt  }
0x5d: {  	_ =	shalt  }
0x5e: {  	_ =	shalt  }
0x5f: {  	_ =	shalt  }
0x60: {  	_ =	shalt  }
0x61: {  	_ =	shalt  }
0x62: {  	_ =	shalt  }
0x63: {  	_ =	shalt  }
0x64: {  	_ =	shalt  }
0x65: {  	_ =	shalt  }
0x66: {  	_ =	shalt  }
0x67: {  	_ =	shalt  }
0x68: {  	_ =	shalt  }
0x69: {  	_ =	shalt  }
0x6a: {  	_ =	shalt  }
0x6b: {  	_ =	shalt  }
0x6c: {  	_ =	shalt  }
0x6d: {  	_ =	shalt  }
0x6e: {  	_ =	shalt  }
0x6f: {  	_ =	shalt  }
0x70: {  	_ =	shalt  }
0x71: {  	_ =	shalt  }
0x72: {  	_ =	shalt  }
0x73: {  	_ =	shalt  }
0x74: {  	_ =	shalt  }
0x75: {  	_ =	shalt  }
0x76: {  	_ =	shalt  }
0x77: {  	_ =	shalt  }
0x78: {  	_ =	shalt  }
0x79: {  	_ =	shalt  }
0x7a: {  	_ =	shalt  }
0x7b: {  	_ =	shalt  }
0x7c: {  	_ =	shalt  }
0x7d: {  	_ =	shalt  }
0x7e: {  	_ =	shalt  }
0x7f: {  	_ =	shalt  }
0x80: {  	_ =	shalt  }
0x81: {  	_ =	shalt  }
0x82: {  	_ =	shalt  }
0x83: {  	_ =	shalt  }
0x84: {  	_ =	shalt  }
0x85: {  	_ =	shalt  }
0x86: {  	_ =	shalt  }
0x87: {  	_ =	shalt  }
.Lfunc_end0:
.L_simem_size_0:
called_computation_lowered:
.L_overlay_start_0:
0x88: {  	s2 =	sld [smem:$0x3FD9]  }
0x89: {  	s3 =	sld [smem:$0x3FFE];
	_ =	sdelay $0x1  }
0x8a: {  	s1 =	srdreg.scid  }
0x8b: {  	s0 =	sand.u32 $0x1, s1  }
0x8c: {  	s17 =	sshll.u32 s0, $0xA;
	s2 =	sadd.s32 s3, s2  }
0x8d: {  	s2 =	sadd.s32 s2, s17  }
0x8e: {  	[smem:$0x3FC4] =	sst s2  }
0x8f: {  	_ = 	snop  }
0x90: {  	s2 =	sld [smem:$0x3FC9]  }
0x91: {  	s18 =	sld [smem:$0x3FD0];
	(tm) =	ssettm $0x1  }
0x92: {  	s4 =	sld [smem:$0x3FFB];
	_ =	sdelay $0x3  }
0x93: {  	_ =	strace s4  }
0x94: {  	s4 =	sld [smem:$0x3FFC];
	_ =	sdelay $0x3  }
0x95: {  	_ =	strace s4  }
0x96: {  	s4 =	sld [smem:$0x3FFD];
	_ =	sdelay $0x3  }
0x97: {  	_ =	strace s4  }
0x98: {  	_ =	strace $0x8FFFFFFF  }
0x99: {  	s19 =	sld [smem:$0x3FDB];
	_ =	sdelay $0x1  }
0x9a: {  	s5 =	simm.s32 $_scs_section_size  }
0x9b: {  	s6 =	simm.s32 $_size__tile_overlayer_lowered;
	s7 =	simm.s32 $_tile_overlayer_lowered  }
0x9c: {  	s22 =	simm.s32 $0x1BFF;
	s21 =	sshll.u32 s7, $0x1;
	s4 =	sadd.s32 s5, s19  }
0x9d: {  	s8 =	simm.s32 $0x0;
	s20 =	sshll.u32 s6, $0x1;
	s6 =	sadd.s32 s21, s4  }
0x9e: {  	[timem:s8], [sflag:s22] =	dma.local [hbm:s6], s20  }
0x9f: {  	_ =	swait.ge [sflag:s22], s20  }
0xa0: {  	s5 =	ssub.s32 $0x0, s20;
	[sflag:s22] =	ssyncset.done $0x0  }
0xa1: {  	[sflag:s22] =	ssyncadd.s32 s5;
	_ =	sdelay $0x1  }
0xa2: {  	s23 =	simm.s32 $0x1B8B  }
0xa3: {  	_ =	swait.ge [sflag:s23], $0x1  }
0xa4: {  	[sflag:s23] =	ssyncset.done $0x0  }
0xa5: {  	s25 =	simm.s32 $0x1B8E;
	s24 =	sld [smem:$0x3FFE];
	[sflag:s23] =	ssyncadd.s32 $0xFFFFFFFF  }
0xa6: {  	s26 =	simm.s32 $execute0_lowered;
	[smem:$0x3FD2] =	sst s25  }
0xa7: {  	s6 =	sshll.u32 s26, $0x1;
	_ =	strace $0x80000046;
	[dreg:$0x1] =	wrdreg $0xFFFFFFFF  }
0xa8: {  	s28 =	simm.s32 $_size_execute0_lowered;
	s4 =	sadd.s32 s4, s6;
	[dreg:$0x0] =	wrdreg $0x0  }
0xa9: {  	s6 =	sshll.u32 s28, $0x1;
	[dreg:$0x2] =	wrdreg s4  }
0xaa: {  	[dreg:$0x3] =	wrdreg s6  }
0xab: {  	[dreg:$0x4] =	wrdreg $0xC0  }
0xac: {  	_ =	task [dreg:s8], $0x5FFFF  }
0xad: {  	[dreg:$0x1] =	wrdreg $0xFFFFFFFF  }
0xae: {  	[dreg:$0x0] =	wrdreg $0x60  }
0xaf: {  	[dreg:$0x2] =	wrdreg s2  }
0xb0: {  	[dreg:$0x3] =	wrdreg s24  }
0xb1: {  	[dreg:$0x4] =	wrdreg s18  }
0xb2: {  	[dreg:$0x5] =	wrdreg $0x90000  }
0xb3: {  	[dreg:$0x6] =	wrdreg $0x9  }
0xb4: {  	_ =	task.clear_ibuf [dreg:s8], $0x7FFFF;
	_ =	strace $0x90000046  }
0xb5: {  	s29 =	simm.s32 $0x9;
	_ =	strace $0x80000048  }
0xb6: {  	_ =	swait.ge [sflag:s29], $0x1  }
0xb7: {  	[sflag:s29] =	ssyncadd.s32 $0xFFFFFFFF  }
0xb8: {  	_ =	strace $0x90000048  }
0xb9: {  	_ =	sfence  }
0xba: {  	s30 =	sld [smem:$0x0];
	_ =	sdelay $0x2  }
0xbb: {  	s31 =	sshll.u32 s1, $0xD;
	s1 =	sshrl.u32 s1, $0x2  }
0xbc: {  	s3 =	sand.u32 $0x4000, s31;
	s1 =	sadd.s32 s1, s30  }
0xbd: {  	s0 =	sor.u32 s3, s0;
	s1 =	sshll.u32 s1, $0x11  }
0xbe: {  	s0 =	sor.u32 s1, s0  }
0xbf: {  	s0 =	sadd.s32 $0x8F2B, s0  }
0xc0: {  	[sflag:s0] =	ssyncadd.remote.s32 $0x1  }
0xc1: {  	_ =	sfence.sel $0xFFFF  }
0xc2: {  	[dreg:$0x0] =	wrdreg $0xFFFFFFFF;
	(pc) =	sbr.abs _section_cstart, $3  }
0xc3: {  	[dreg:$0x1] =	wrdreg $0xFFFFFFFF  }
0xc4: {  	_ =	task.clear_ibuf [dreg:s8], $0x2FFFF;
	_ =	strace $0x9FFFFFFF  }
0xc5: {  	(tm) =	ssettm $0x7FFFFFFF  }
tec
execute0_lowered:
.L_overlay_start_1:
0x0: {  	(tag) =	ssettag $0x1  }
0x1: {  	s0 =	rddreg [dreg:$0x0]  }
0x2: {  	s2 =	rddreg [dreg:$0x1]  }
0x3: {  	s1 =	srdreg.scid;
	s6 =	rddreg [dreg:$0x2]  }
0x4: {  	s24 =	stileid.u32;
	s3 =	rddreg [dreg:$0x3]  }
0x5: {  	s4 =	simm.s32 $0x0;
	s13 =	simm.s32 $0x900;
	s15 =	simm.s32 $0x200  }
0x6: {  	s17 =	simm.s32 $0x980;
	s19 =	simm.s32 $0x280;
	s20 =	simm.s32 $0xA00  }
0x7: {  	s21 =	simm.s32 $0x300;
	s22 =	simm.s32 $0xA80;
	s23 =	simm.s32 $0x380  }
0x8: {  	s28 =	simm.s32 $0xC80;
	s29 =	simm.s32 $0x580;
	[smem:$0x7FF] =	sst s4  }
0x9: {  	s7 =	smul.u32 $0x2800, s24;
	_ =	strace $0x80000047;
	[dreg:$0xa] =	wrdreg s13  }
0xa: {  	s30 =	simm.s32 $0xD00;
	s9 =	smul.u32 $0x13800, s24;
	[dreg:$0xb] =	wrdreg s15  }
0xb: {  	s31 =	simm.s32 $0x600;
	s10 =	smul.u32 $0x50000, s24;
	[dreg:$0xc] =	wrdreg s17  }
0xc: {  	s1 =	sand.u32 $0x1, s1;
	s12 =	smul.u32 $0x4E000, s24;
	[dreg:$0xd] =	wrdreg s19  }
0xd: {  	p0 =	sne.s32 s24, $0x0;
	s5 =	smul.u32 $0x28000, s1;
	[dreg:$0xe] =	wrdreg s20  }
0xe: {  	s24 =	simm.s32 $0x0;
	s25 =	smul.u32 $0x138800, s1;
	[dreg:$0xf] =	wrdreg s21  }
0xf: {  	s1 =	ssub.s32 $0x2, s1;
	s13 =	simm.s32 $0x1000;
	[dreg:$0x10] =	wrdreg s22  }
0x10: {  	s15 =	simm.s32 $0x800;
	s17 =	simm.s32 $0x5000;
	[dreg:$0x11] =	wrdreg s23  }
0x11: {  	s19 =	simm.s32 $0x2;
	s20 =	simm.s32 $0x400;
	s21 =	simm.s32 $0xB80  }
0x12: {  	s22 =	simm.s32 $0x480;
	s23 =	simm.s32 $0xC00;
	s11 =	sshrl.u32 s1, $0x1  }
0x13: {  	s10 =	sshrl.u32 s10, $0x2;
	s26 =	sshrl.u32 s12, $0x2;
	s5 =	sadd.s32 s7, s5  }
0x14: {  	s9 =	sadd.s32 s9, s25;
	s1 =	ssub.s32 s1, s11;
	s11 =	simm.s32 $0x180  }
0x15: {  	s10 =	sadd.s32 s10, s3;
	s7 =	sshrl.u32 s25, $0x3;
	[dreg:$0x9] =	wrdreg s11  }
0x16: {  	s25 =	simm.s32 $0xB00;
	s5 =	sshrl.u32 s5, $0x3;
	[dreg:$0x13] =	wrdreg s10  }
0x17: {  	s9 =	sshrl.u32 s9, $0x3;
	s1 =	smax.u32 s1, $0x1;
	[dreg:$0x12] =	wrdreg s25  }
0x18: {  	s12 =	sadd.s32 $0x4000, s10;
	s14 =	sadd.s32 $0x8000, s10;
	[dreg:$0x16] =	wrdreg s1  }
0x19: {  	s16 =	sadd.s32 $0xC000, s10;
	s18 =	sadd.s32 $0x10000, s10;
	[dreg:$0x17] =	wrdreg s12  }
0x1a: {  	s10 =	simm.s32 $0xF00;
	s11 =	simm.s32 $0xF80;
	[dreg:$0x18] =	wrdreg s14  }
0x1b: {  	s8 =	sadd.s32 s5, s2;
	s2 =	sadd.s32 $0xAC00, s2;
	[dreg:$0x19] =	wrdreg s16  }
0x1c: {  	s5 =	sadd.s32 s5, s6;
	[dreg:$0x1a] =	wrdreg s18;
	s14 =	simm.s32 $0x3  }
0x1d: {  	s16 =	simm.s32 $0x80;
	s9 =	sadd.s32 s2, s9;
	[dreg:$0x5] =	wrdreg s5  }
0x1e: {  	s18 =	simm.s32 $0x1;
	s6 =	sadd.s32 $0xC00, s8;
	[dreg:$0x14] =	wrdreg s9  }
0x1f: {  	s2 =	sadd.s32 s2, s7;
	s7 =	simm.s32 $0x100;
	[dreg:$0x6] =	wrdreg s6  }
0x20: {  	s5 =	sadd.s32 $0x138000, s3;
	s8 =	simm.s32 $0x880;
	[dreg:$0x7] =	wrdreg s7  }
0x21: {  	s9 =	sadd.s32 s26, s3;
	s2 =	sadd.s32 $0x27000, s2;
	[dreg:$0x8] =	wrdreg s8  }
0x22: {  	s1 =	sshrl.u32 @!p0 s5, $0x3;
	s6 =	simm.s32 $0xE00;
	s7 =	simm.s32 $0x700  }
0x23: {  	s8 =	simm.s32 $0xE80;
	[dreg:$0x15] =	wrdreg s2;
	s26 =	sshrl.u32 s9, $0x3  }
0x24: {  	[dreg:$0x1c] =	wrdreg s1;
	s1 =	simm.s32 $0xD80;
	s2 =	simm.s32 $0x680  }
0x25: {  	v0 =	vimm.f32 $0.0e+00;
	s9 =	simm.s32 $0x780;
	[dreg:$0x1b] =	wrdreg s26;
	s26 =	simm.s32 $0x500  }
.LBB2_1:
0x26: {  	[dreg:$0x1d] =	wrdreg s24;
	s24 =	simm.s32 $0x0;
	s25 =	simm.s32 $0x200  }
.LBB2_2:
0x27: {  	p1 =	sne.s32 s25, $0xFE00;
	[tilespmem:s24+$0x1070] =	vst v0  }
0x28: {  	[tilespmem:s24+$0x1000] =	vst v0  }
0x29: {  	[tilespmem:s24+$0x1010] =	vst v0  }
.Ltmp0:
0x2a: {  	[tilespmem:s24+$0x1020] =	vst v0;
	(pc) =	sbr.rel @p1 .LBB2_2-.Ltmp0, $4  }
0x2b: {  	[tilespmem:s24+$0x1030] =	vst v0  }
0x2c: {  	[tilespmem:s24+$0x1040] =	vst v0  }
0x2d: {  	[tilespmem:s24+$0x1050] =	vst v0  }
0x2e: {  	[tilespmem:s24+$0x1060] =	vst v0;
	s24 =	sshra.s32 s25, $0x2;
	s25 =	sadd.s32 $0x200, s25  }
0x2f: {  	[tilespmem:s24+$0x1070] =	vst v0  }
0x30: {  	[tilespmem:s24+$0x1000] =	vst v0  }
0x31: {  	[tilespmem:s24+$0x1010] =	vst v0  }
0x32: {  	[tilespmem:s24+$0x1020] =	vst v0  }
0x33: {  	[tilespmem:s24+$0x1030] =	vst v0  }
0x34: {  	[tilespmem:s24+$0x1040] =	vst v0  }
0x35: {  	[tilespmem:s24+$0x1050] =	vst v0  }
0x36: {  	[tilespmem:s24+$0x1060] =	vst v0;
	s5 =	rddreg [dreg:$0x13]  }
0x37: {  	[spmem:s5] =	stream.linear.scatter [tilespmem:s13], [sflag:$0x3], $0x4000, $0x38;
	[tilespmem:$0x1D000] =	vst v63  }
0x38: {  	_ =	swait.ge [sflag:s14], $0x4000  }
0x39: {  	[sflag:s14] =	ssyncset.done $0x0  }
0x3a: {  	s12 =	rddreg [dreg:$0x17];
	[sflag:s14] =	ssyncadd.s32 $0xFFFFC000  }
0x3b: {  	[spmem:s12] =	stream.linear.scatter [tilespmem:s13], [sflag:$0x3], $0x4000, $0x38;
	[tilespmem:$0x1D000] =	vst v63  }
0x3c: {  	_ =	swait.ge [sflag:s14], $0x4000  }
0x3d: {  	[sflag:s14] =	ssyncset.done $0x0  }
0x3e: {  	s24 =	rddreg [dreg:$0x18];
	[sflag:s14] =	ssyncadd.s32 $0xFFFFC000  }
0x3f: {  	[spmem:s24] =	stream.linear.scatter [tilespmem:s13], [sflag:$0x3], $0x4000, $0x38;
	[tilespmem:$0x1D000] =	vst v63  }
0x40: {  	_ =	swait.ge [sflag:s14], $0x4000  }
0x41: {  	[sflag:s14] =	ssyncset.done $0x0  }
0x42: {  	s25 =	rddreg [dreg:$0x19];
	[sflag:s14] =	ssyncadd.s32 $0xFFFFC000  }
0x43: {  	[spmem:s25] =	stream.linear.scatter [tilespmem:s13], [sflag:$0x3], $0x4000, $0x38;
	[tilespmem:$0x1D000] =	vst v63  }
0x44: {  	_ =	swait.ge [sflag:s14], $0x4000  }
0x45: {  	[sflag:s14] =	ssyncset.done $0x0  }
0x46: {  	s12 =	rddreg [dreg:$0x1a];
	[sflag:s14] =	ssyncadd.s32 $0xFFFFC000  }
0x47: {  	[spmem:s12] =	stream.linear.scatter [tilespmem:s13], [sflag:$0x3], $0x4000, $0x38;
	[tilespmem:$0x1D000] =	vst v63  }
0x48: {  	_ =	swait.ge [sflag:s14], $0x4000  }
0x49: {  	[sflag:s14] =	ssyncset.done $0x0  }
0x4a: {  	[sflag:s14] =	ssyncadd.s32 $0xFFFFC000  }
0x4b: {  	[bflag:$0x0] =	sbarrier.arrive $0xFFFF  }
0x4c: {  	s24 =	rddreg [dreg:$0x6]  }
0x4d: {  	s5 =	sadd.s32 $0x0, s24  }
0x4e: {  	[tilespmem:s4], [sflag:$0x3] =	stream.linear.gather [hbm4b:s5+s4], $0x800, $0x38;
	[tilespmem:$0x1D000] =	vst v63  }
0x4f: {  	_ =	swait.ge [sflag:s14], $0x800  }
0x50: {  	s25 =	rddreg [dreg:$0x5];
	[sflag:s14] =	ssyncset.done $0x0  }
0x51: {  	[sflag:s14] =	ssyncadd.s32 $0xFFFFF800;
	s5 =	sadd.s32 $0x0, s25  }
0x52: {  	[tilespmem:s15], [sflag:$0x3] =	stream.linear.gather [hbm4b:s5+s4], $0x800, $0x38;
	[tilespmem:$0x1D000] =	vst v63  }
0x53: {  	_ =	swait.ge [sflag:s14], $0x800  }
0x54: {  	[sflag:s14] =	ssyncset.done $0x0  }
0x55: {  	[sflag:s14] =	ssyncadd.s32 $0xFFFFF800  }
0x56: {  	[tilespmem:s13], [sflag:$0x1] =	stream.indirect.gather [hbm4b:s0+s16], $0x80, s4, s16, $0xb8;
	[tilespmem:$0x1D000] =	vst v63  }
0x57: {  	_ = 	snop  }
0x58: {  	[tilespmem:s17], [sflag:$0x2] =	stream.indirect.gather [hbm4b:s0+s16], $0x80, s16, s16, $0xb8;
	[tilespmem:$0x1D000] =	vst v63  }
0x59: {  	_ =	swait.ge [sflag:s18], $0x4000  }
0x5a: {  	[sflag:s18] =	ssyncset.done $0x0  }
0x5b: {  	[sflag:s18] =	ssyncadd.s32 $0xFFFFC000  }
0x5c: {  	[spmem:s3] =	stream.indirect.scatter.add.f32 [tilespmem:s13], [sflag:$0x3], $0x80, s15, s16, $0xb8;
	[tilespmem:$0x1D000] =	vst v63  }
0x5d: {  	_ =	swait.ge [sflag:s14], $0x4000  }
0x5e: {  	[sflag:s14] =	ssyncset.done $0x0  }
0x5f: {  	s12 =	rddreg [dreg:$0x7];
	[sflag:s14] =	ssyncadd.s32 $0xFFFFC000  }
0x60: {  	[tilespmem:s13], [sflag:$0x1] =	stream.indirect.gather [hbm4b:s0+s16], $0x80, s12, s16, $0xb8;
	[tilespmem:$0x1D000] =	vst v63  }
0x61: {  	_ =	swait.ge [sflag:s19], $0x4000  }
0x62: {  	[sflag:s19] =	ssyncset.done $0x0  }
0x63: {  	s24 =	rddreg [dreg:$0x8];
	[sflag:s19] =	ssyncadd.s32 $0xFFFFC000  }
0x64: {  	[spmem:s3] =	stream.indirect.scatter.add.f32 [tilespmem:s17], [sflag:$0x3], $0x80, s24, s16, $0xb8;
	[tilespmem:$0x1D000] =	vst v63  }
0x65: {  	_ =	swait.ge [sflag:s14], $0x4000  }
0x66: {  	[sflag:s14] =	ssyncset.done $0x0  }
0x67: {  	s25 =	rddreg [dreg:$0x9];
	[sflag:s14] =	ssyncadd.s32 $0xFFFFC000  }
0x68: {  	[tilespmem:s17], [sflag:$0x2] =	stream.indirect.gather [hbm4b:s0+s16], $0x80, s25, s16, $0xb8;
	[tilespmem:$0x1D000] =	vst v63  }
0x69: {  	_ =	swait.ge [sflag:s18], $0x4000  }
0x6a: {  	[sflag:s18] =	ssyncset.done $0x0  }
0x6b: {  	s12 =	rddreg [dreg:$0xa];
	[sflag:s18] =	ssyncadd.s32 $0xFFFFC000  }
0x6c: {  	[spmem:s3] =	stream.indirect.scatter.add.f32 [tilespmem:s13], [sflag:$0x3], $0x80, s12, s16, $0xb8;
	[tilespmem:$0x1D000] =	vst v63  }
0x6d: {  	_ =	swait.ge [sflag:s14], $0x4000  }
0x6e: {  	[sflag:s14] =	ssyncset.done $0x0  }
0x6f: {  	s24 =	rddreg [dreg:$0xb];
	[sflag:s14] =	ssyncadd.s32 $0xFFFFC000  }
0x70: {  	[tilespmem:s13], [sflag:$0x1] =	stream.indirect.gather [hbm4b:s0+s16], $0x80, s24, s16, $0xb8;
	[tilespmem:$0x1D000] =	vst v63  }
0x71: {  	_ =	swait.ge [sflag:s19], $0x4000  }
0x72: {  	[sflag:s19] =	ssyncset.done $0x0  }
0x73: {  	s25 =	rddreg [dreg:$0xc];
	[sflag:s19] =	ssyncadd.s32 $0xFFFFC000  }
0x74: {  	[spmem:s3] =	stream.indirect.scatter.add.f32 [tilespmem:s17], [sflag:$0x3], $0x80, s25, s16, $0xb8;
	[tilespmem:$0x1D000] =	vst v63  }
0x75: {  	_ =	swait.ge [sflag:s14], $0x4000  }
0x76: {  	[sflag:s14] =	ssyncset.done $0x0  }
0x77: {  	s12 =	rddreg [dreg:$0xd];
	[sflag:s14] =	ssyncadd.s32 $0xFFFFC000  }
0x78: {  	[tilespmem:s17], [sflag:$0x2] =	stream.indirect.gather [hbm4b:s0+s16], $0x80, s12, s16, $0xb8;
	[tilespmem:$0x1D000] =	vst v63  }
0x79: {  	_ =	swait.ge [sflag:s18], $0x4000  }
0x7a: {  	[sflag:s18] =	ssyncset.done $0x0  }
0x7b: {  	s24 =	rddreg [dreg:$0xe];
	[sflag:s18] =	ssyncadd.s32 $0xFFFFC000  }
0x7c: {  	[spmem:s3] =	stream.indirect.scatter.add.f32 [tilespmem:s13], [sflag:$0x3], $0x80, s24, s16, $0xb8;
	[tilespmem:$0x1D000] =	vst v63  }
0x7d: {  	_ =	swait.ge [sflag:s14], $0x4000  }
0x7e: {  	[sflag:s14] =	ssyncset.done $0x0  }
0x7f: {  	s25 =	rddreg [dreg:$0xf];
	[sflag:s14] =	ssyncadd.s32 $0xFFFFC000  }
0x80: {  	[tilespmem:s13], [sflag:$0x1] =	stream.indirect.gather [hbm4b:s0+s16], $0x80, s25, s16, $0xb8;
	[tilespmem:$0x1D000] =	vst v63  }
0x81: {  	_ =	swait.ge [sflag:s19], $0x4000  }
0x82: {  	[sflag:s19] =	ssyncset.done $0x0  }
0x83: {  	s12 =	rddreg [dreg:$0x10];
	[sflag:s19] =	ssyncadd.s32 $0xFFFFC000  }
0x84: {  	[spmem:s3] =	stream.indirect.scatter.add.f32 [tilespmem:s17], [sflag:$0x3], $0x80, s12, s16, $0xb8;
	[tilespmem:$0x1D000] =	vst v63  }
0x85: {  	_ =	swait.ge [sflag:s14], $0x4000  }
0x86: {  	[sflag:s14] =	ssyncset.done $0x0  }
0x87: {  	s24 =	rddreg [dreg:$0x11];
	[sflag:s14] =	ssyncadd.s32 $0xFFFFC000  }
0x88: {  	[tilespmem:s17], [sflag:$0x2] =	stream.indirect.gather [hbm4b:s0+s16], $0x80, s24, s16, $0xb8;
	[tilespmem:$0x1D000] =	vst v63  }
0x89: {  	_ =	swait.ge [sflag:s18], $0x4000  }
0x8a: {  	[sflag:s18] =	ssyncset.done $0x0  }
0x8b: {  	s25 =	rddreg [dreg:$0x12];
	[sflag:s18] =	ssyncadd.s32 $0xFFFFC000  }
0x8c: {  	[spmem:s3] =	stream.indirect.scatter.add.f32 [tilespmem:s13], [sflag:$0x3], $0x80, s25, s16, $0xb8;
	[tilespmem:$0x1D000] =	vst v63  }
0x8d: {  	_ =	swait.ge [sflag:s14], $0x4000  }
0x8e: {  	[sflag:s14] =	ssyncset.done $0x0  }
0x8f: {  	[sflag:s14] =	ssyncadd.s32 $0xFFFFC000  }
0x90: {  	[tilespmem:s13], [sflag:$0x1] =	stream.indirect.gather [hbm4b:s0+s16], $0x80, s20, s16, $0xb8;
	[tilespmem:$0x1D000] =	vst v63  }
0x91: {  	_ =	swait.ge [sflag:s19], $0x4000  }
0x92: {  	[sflag:s19] =	ssyncset.done $0x0  }
0x93: {  	[sflag:s19] =	ssyncadd.s32 $0xFFFFC000  }
0x94: {  	[spmem:s3] =	stream.indirect.scatter.add.f32 [tilespmem:s17], [sflag:$0x3], $0x80, s21, s16, $0xb8;
	[tilespmem:$0x1D000] =	vst v63  }
0x95: {  	_ =	swait.ge [sflag:s14], $0x4000  }
0x96: {  	[sflag:s14] =	ssyncset.done $0x0  }
0x97: {  	[sflag:s14] =	ssyncadd.s32 $0xFFFFC000  }
0x98: {  	[tilespmem:s17], [sflag:$0x2] =	stream.indirect.gather [hbm4b:s0+s16], $0x80, s22, s16, $0xb8;
	[tilespmem:$0x1D000] =	vst v63  }
0x99: {  	_ =	swait.ge [sflag:s18], $0x4000  }
0x9a: {  	[sflag:s18] =	ssyncset.done $0x0  }
0x9b: {  	[sflag:s18] =	ssyncadd.s32 $0xFFFFC000  }
0x9c: {  	[spmem:s3] =	stream.indirect.scatter.add.f32 [tilespmem:s13], [sflag:$0x3], $0x80, s23, s16, $0xb8;
	[tilespmem:$0x1D000] =	vst v63  }
0x9d: {  	_ =	swait.ge [sflag:s14], $0x4000  }
0x9e: {  	[sflag:s14] =	ssyncset.done $0x0  }
0x9f: {  	[sflag:s14] =	ssyncadd.s32 $0xFFFFC000  }
0xa0: {  	[tilespmem:s13], [sflag:$0x1] =	stream.indirect.gather [hbm4b:s0+s16], $0x80, s26, s16, $0xb8;
	[tilespmem:$0x1D000] =	vst v63  }
0xa1: {  	_ =	swait.ge [sflag:s19], $0x4000  }
0xa2: {  	[sflag:s19] =	ssyncset.done $0x0  }
0xa3: {  	[sflag:s19] =	ssyncadd.s32 $0xFFFFC000  }
0xa4: {  	[spmem:s3] =	stream.indirect.scatter.add.f32 [tilespmem:s17], [sflag:$0x3], $0x80, s28, s16, $0xb8;
	[tilespmem:$0x1D000] =	vst v63  }
0xa5: {  	_ =	swait.ge [sflag:s14], $0x4000  }
0xa6: {  	[sflag:s14] =	ssyncset.done $0x0  }
0xa7: {  	[sflag:s14] =	ssyncadd.s32 $0xFFFFC000  }
0xa8: {  	[tilespmem:s17], [sflag:$0x2] =	stream.indirect.gather [hbm4b:s0+s16], $0x80, s29, s16, $0xb8;
	[tilespmem:$0x1D000] =	vst v63  }
0xa9: {  	_ =	swait.ge [sflag:s18], $0x4000  }
0xaa: {  	[sflag:s18] =	ssyncset.done $0x0  }
0xab: {  	[sflag:s18] =	ssyncadd.s32 $0xFFFFC000  }
0xac: {  	[spmem:s3] =	stream.indirect.scatter.add.f32 [tilespmem:s13], [sflag:$0x3], $0x80, s30, s16, $0xb8;
	[tilespmem:$0x1D000] =	vst v63  }
0xad: {  	_ =	swait.ge [sflag:s14], $0x4000  }
0xae: {  	[sflag:s14] =	ssyncset.done $0x0  }
0xaf: {  	[sflag:s14] =	ssyncadd.s32 $0xFFFFC000  }
0xb0: {  	[tilespmem:s13], [sflag:$0x1] =	stream.indirect.gather [hbm4b:s0+s16], $0x80, s31, s16, $0xb8;
	[tilespmem:$0x1D000] =	vst v63  }
0xb1: {  	_ =	swait.ge [sflag:s19], $0x4000  }
0xb2: {  	[sflag:s19] =	ssyncset.done $0x0  }
0xb3: {  	[sflag:s19] =	ssyncadd.s32 $0xFFFFC000  }
0xb4: {  	[spmem:s3] =	stream.indirect.scatter.add.f32 [tilespmem:s17], [sflag:$0x3], $0x80, s1, s16, $0xb8;
	[tilespmem:$0x1D000] =	vst v63  }
0xb5: {  	_ =	swait.ge [sflag:s14], $0x4000  }
0xb6: {  	[sflag:s14] =	ssyncset.done $0x0  }
0xb7: {  	[sflag:s14] =	ssyncadd.s32 $0xFFFFC000  }
0xb8: {  	[tilespmem:s17], [sflag:$0x2] =	stream.indirect.gather [hbm4b:s0+s16], $0x80, s2, s16, $0xb8;
	[tilespmem:$0x1D000] =	vst v63  }
0xb9: {  	_ =	swait.ge [sflag:s18], $0x4000  }
0xba: {  	[sflag:s18] =	ssyncset.done $0x0  }
0xbb: {  	[sflag:s18] =	ssyncadd.s32 $0xFFFFC000  }
0xbc: {  	[spmem:s3] =	stream.indirect.scatter.add.f32 [tilespmem:s13], [sflag:$0x3], $0x80, s6, s16, $0xb8;
	[tilespmem:$0x1D000] =	vst v63  }
0xbd: {  	_ =	swait.ge [sflag:s14], $0x4000  }
0xbe: {  	[sflag:s14] =	ssyncset.done $0x0  }
0xbf: {  	[sflag:s14] =	ssyncadd.s32 $0xFFFFC000  }
0xc0: {  	[tilespmem:s13], [sflag:$0x1] =	stream.indirect.gather [hbm4b:s0+s16], $0x80, s7, s16, $0xb8;
	[tilespmem:$0x1D000] =	vst v63  }
0xc1: {  	_ =	swait.ge [sflag:s19], $0x4000  }
0xc2: {  	[sflag:s19] =	ssyncset.done $0x0  }
0xc3: {  	[sflag:s19] =	ssyncadd.s32 $0xFFFFC000  }
0xc4: {  	[spmem:s3] =	stream.indirect.scatter.add.f32 [tilespmem:s17], [sflag:$0x3], $0x80, s8, s16, $0xb8;
	[tilespmem:$0x1D000] =	vst v63  }
0xc5: {  	_ =	swait.ge [sflag:s14], $0x4000  }
0xc6: {  	[sflag:s14] =	ssyncset.done $0x0  }
0xc7: {  	[sflag:s14] =	ssyncadd.s32 $0xFFFFC000  }
0xc8: {  	[tilespmem:s17], [sflag:$0x2] =	stream.indirect.gather [hbm4b:s0+s16], $0x80, s9, s16, $0xb8;
	[tilespmem:$0x1D000] =	vst v63  }
0xc9: {  	_ =	swait.ge [sflag:s18], $0x4000  }
0xca: {  	[sflag:s18] =	ssyncset.done $0x0  }
0xcb: {  	[sflag:s18] =	ssyncadd.s32 $0xFFFFC000  }
0xcc: {  	[spmem:s3] =	stream.indirect.scatter.add.f32 [tilespmem:s13], [sflag:$0x3], $0x80, s10, s16, $0xb8;
	[tilespmem:$0x1D000] =	vst v63  }
0xcd: {  	_ =	swait.ge [sflag:s14], $0x4000  }
0xce: {  	[sflag:s14] =	ssyncset.done $0x0  }
0xcf: {  	[sflag:s14] =	ssyncadd.s32 $0xFFFFC000  }
0xd0: {  	_ =	swait.ge [sflag:s19], $0x4000  }
0xd1: {  	[sflag:s19] =	ssyncset.done $0x0  }
0xd2: {  	[sflag:s19] =	ssyncadd.s32 $0xFFFFC000  }
0xd3: {  	[spmem:s3] =	stream.indirect.scatter.add.f32 [tilespmem:s17], [sflag:$0x3], $0x80, s11, s16, $0xb8;
	[tilespmem:$0x1D000] =	vst v63  }
0xd4: {  	s24 =	simm.s32 $0x100;
	_ =	swait.ge [sflag:s14], $0x4000  }
0xd5: {  	s25 =	simm.s32 $0x200;
	s5 =	rddreg [dreg:$0x6];
	[sflag:s14] =	ssyncset.done $0x0  }
.LBB2_4:
0xd6: {  	[sflag:s14] =	ssyncadd.s32 $0xFFFFC000;
	s5 =	sadd.s32 s24, s5  }
0xd7: {  	[tilespmem:s4], [sflag:$0x3] =	stream.linear.gather [hbm4b:s5+s4], $0x800, $0x38;
	[tilespmem:$0x1D000] =	vst v63  }
0xd8: {  	_ =	swait.ge [sflag:s14], $0x800  }
0xd9: {  	s5 =	rddreg [dreg:$0x5];
	[sflag:s14] =	ssyncset.done $0x0  }
0xda: {  	[sflag:s14] =	ssyncadd.s32 $0xFFFFF800;
	s5 =	sadd.s32 s24, s5  }
0xdb: {  	[tilespmem:s15], [sflag:$0x3] =	stream.linear.gather [hbm4b:s5+s4], $0x800, $0x38;
	[tilespmem:$0x1D000] =	vst v63  }
0xdc: {  	_ =	swait.ge [sflag:s14], $0x800  }
0xdd: {  	[sflag:s14] =	ssyncset.done $0x0  }
0xde: {  	[sflag:s14] =	ssyncadd.s32 $0xFFFFF800  }
0xdf: {  	[tilespmem:s13], [sflag:$0x1] =	stream.indirect.gather [hbm4b:s0+s16], $0x80, s4, s16, $0xb8;
	[tilespmem:$0x1D000] =	vst v63  }
0xe0: {  	_ = 	snop  }
0xe1: {  	[tilespmem:s17], [sflag:$0x2] =	stream.indirect.gather [hbm4b:s0+s16], $0x80, s16, s16, $0xb8;
	[tilespmem:$0x1D000] =	vst v63  }
0xe2: {  	_ =	swait.ge [sflag:s18], $0x4000  }
0xe3: {  	[sflag:s18] =	ssyncset.done $0x0  }
0xe4: {  	[sflag:s18] =	ssyncadd.s32 $0xFFFFC000  }
0xe5: {  	[spmem:s3] =	stream.indirect.scatter.add.f32 [tilespmem:s13], [sflag:$0x3], $0x80, s15, s16, $0xb8;
	[tilespmem:$0x1D000] =	vst v63  }
0xe6: {  	_ =	swait.ge [sflag:s14], $0x4000  }
0xe7: {  	s12 =	smov.u32 s25;
	[sflag:s14] =	ssyncset.done $0x0  }
0xe8: {  	s24 =	smov.u32 s12;
	s12 =	rddreg [dreg:$0x7];
	[sflag:s14] =	ssyncadd.s32 $0xFFFFC000  }
0xe9: {  	[tilespmem:s13], [sflag:$0x1] =	stream.indirect.gather [hbm4b:s0+s16], $0x80, s12, s16, $0xb8;
	[tilespmem:$0x1D000] =	vst v63  }
0xea: {  	_ =	swait.ge [sflag:s19], $0x4000  }
0xeb: {  	[sflag:s19] =	ssyncset.done $0x0  }
0xec: {  	s12 =	rddreg [dreg:$0x8];
	[sflag:s19] =	ssyncadd.s32 $0xFFFFC000  }
0xed: {  	[spmem:s3] =	stream.indirect.scatter.add.f32 [tilespmem:s17], [sflag:$0x3], $0x80, s12, s16, $0xb8;
	[tilespmem:$0x1D000] =	vst v63  }
0xee: {  	_ =	swait.ge [sflag:s14], $0x4000  }
0xef: {  	[sflag:s14] =	ssyncset.done $0x0  }
0xf0: {  	s12 =	rddreg [dreg:$0x9];
	[sflag:s14] =	ssyncadd.s32 $0xFFFFC000  }
0xf1: {  	[tilespmem:s17], [sflag:$0x2] =	stream.indirect.gather [hbm4b:s0+s16], $0x80, s12, s16, $0xb8;
	[tilespmem:$0x1D000] =	vst v63  }
0xf2: {  	_ =	swait.ge [sflag:s18], $0x4000  }
0xf3: {  	[sflag:s18] =	ssyncset.done $0x0  }
0xf4: {  	s12 =	rddreg [dreg:$0xa];
	[sflag:s18] =	ssyncadd.s32 $0xFFFFC000  }
0xf5: {  	[spmem:s3] =	stream.indirect.scatter.add.f32 [tilespmem:s13], [sflag:$0x3], $0x80, s12, s16, $0xb8;
	[tilespmem:$0x1D000] =	vst v63  }
0xf6: {  	_ =	swait.ge [sflag:s14], $0x4000  }
0xf7: {  	[sflag:s14] =	ssyncset.done $0x0  }
0xf8: {  	s12 =	rddreg [dreg:$0xb];
	[sflag:s14] =	ssyncadd.s32 $0xFFFFC000  }
0xf9: {  	[tilespmem:s13], [sflag:$0x1] =	stream.indirect.gather [hbm4b:s0+s16], $0x80, s12, s16, $0xb8;
	[tilespmem:$0x1D000] =	vst v63  }
0xfa: {  	_ =	swait.ge [sflag:s19], $0x4000  }
0xfb: {  	[sflag:s19] =	ssyncset.done $0x0  }
0xfc: {  	s12 =	rddreg [dreg:$0xc];
	[sflag:s19] =	ssyncadd.s32 $0xFFFFC000  }
0xfd: {  	[spmem:s3] =	stream.indirect.scatter.add.f32 [tilespmem:s17], [sflag:$0x3], $0x80, s12, s16, $0xb8;
	[tilespmem:$0x1D000] =	vst v63  }
0xfe: {  	_ =	swait.ge [sflag:s14], $0x4000  }
0xff: {  	[sflag:s14] =	ssyncset.done $0x0  }
0x100: {  	s12 =	rddreg [dreg:$0xd];
	[sflag:s14] =	ssyncadd.s32 $0xFFFFC000  }
0x101: {  	[tilespmem:s17], [sflag:$0x2] =	stream.indirect.gather [hbm4b:s0+s16], $0x80, s12, s16, $0xb8;
	[tilespmem:$0x1D000] =	vst v63  }
0x102: {  	_ =	swait.ge [sflag:s18], $0x4000  }
0x103: {  	[sflag:s18] =	ssyncset.done $0x0  }
0x104: {  	s12 =	rddreg [dreg:$0xe];
	[sflag:s18] =	ssyncadd.s32 $0xFFFFC000  }
0x105: {  	[spmem:s3] =	stream.indirect.scatter.add.f32 [tilespmem:s13], [sflag:$0x3], $0x80, s12, s16, $0xb8;
	[tilespmem:$0x1D000] =	vst v63  }
0x106: {  	_ =	swait.ge [sflag:s14], $0x4000  }
0x107: {  	[sflag:s14] =	ssyncset.done $0x0  }
0x108: {  	s12 =	rddreg [dreg:$0xf];
	[sflag:s14] =	ssyncadd.s32 $0xFFFFC000  }
0x109: {  	[tilespmem:s13], [sflag:$0x1] =	stream.indirect.gather [hbm4b:s0+s16], $0x80, s12, s16, $0xb8;
	[tilespmem:$0x1D000] =	vst v63  }
0x10a: {  	_ =	swait.ge [sflag:s19], $0x4000  }
0x10b: {  	[sflag:s19] =	ssyncset.done $0x0  }
0x10c: {  	s12 =	rddreg [dreg:$0x10];
	[sflag:s19] =	ssyncadd.s32 $0xFFFFC000  }
0x10d: {  	[spmem:s3] =	stream.indirect.scatter.add.f32 [tilespmem:s17], [sflag:$0x3], $0x80, s12, s16, $0xb8;
	[tilespmem:$0x1D000] =	vst v63  }
0x10e: {  	_ =	swait.ge [sflag:s14], $0x4000  }
0x10f: {  	[sflag:s14] =	ssyncset.done $0x0  }
0x110: {  	s12 =	rddreg [dreg:$0x11];
	[sflag:s14] =	ssyncadd.s32 $0xFFFFC000  }
0x111: {  	[tilespmem:s17], [sflag:$0x2] =	stream.indirect.gather [hbm4b:s0+s16], $0x80, s12, s16, $0xb8;
	[tilespmem:$0x1D000] =	vst v63  }
0x112: {  	_ =	swait.ge [sflag:s18], $0x4000  }
0x113: {  	[sflag:s18] =	ssyncset.done $0x0  }
0x114: {  	s12 =	rddreg [dreg:$0x12];
	[sflag:s18] =	ssyncadd.s32 $0xFFFFC000  }
0x115: {  	[spmem:s3] =	stream.indirect.scatter.add.f32 [tilespmem:s13], [sflag:$0x3], $0x80, s12, s16, $0xb8;
	[tilespmem:$0x1D000] =	vst v63  }
0x116: {  	_ =	swait.ge [sflag:s14], $0x4000  }
0x117: {  	[sflag:s14] =	ssyncset.done $0x0  }
0x118: {  	[sflag:s14] =	ssyncadd.s32 $0xFFFFC000  }
0x119: {  	[tilespmem:s13], [sflag:$0x1] =	stream.indirect.gather [hbm4b:s0+s16], $0x80, s20, s16, $0xb8;
	[tilespmem:$0x1D000] =	vst v63  }
0x11a: {  	_ =	swait.ge [sflag:s19], $0x4000  }
0x11b: {  	[sflag:s19] =	ssyncset.done $0x0  }
0x11c: {  	[sflag:s19] =	ssyncadd.s32 $0xFFFFC000  }
0x11d: {  	[spmem:s3] =	stream.indirect.scatter.add.f32 [tilespmem:s17], [sflag:$0x3], $0x80, s21, s16, $0xb8;
	[tilespmem:$0x1D000] =	vst v63  }
0x11e: {  	_ =	swait.ge [sflag:s14], $0x4000  }
0x11f: {  	[sflag:s14] =	ssyncset.done $0x0  }
0x120: {  	[sflag:s14] =	ssyncadd.s32 $0xFFFFC000  }
0x121: {  	[tilespmem:s17], [sflag:$0x2] =	stream.indirect.gather [hbm4b:s0+s16], $0x80, s22, s16, $0xb8;
	[tilespmem:$0x1D000] =	vst v63  }
0x122: {  	_ =	swait.ge [sflag:s18], $0x4000  }
0x123: {  	[sflag:s18] =	ssyncset.done $0x0  }
0x124: {  	[sflag:s18] =	ssyncadd.s32 $0xFFFFC000  }
0x125: {  	[spmem:s3] =	stream.indirect.scatter.add.f32 [tilespmem:s13], [sflag:$0x3], $0x80, s23, s16, $0xb8;
	[tilespmem:$0x1D000] =	vst v63  }
0x126: {  	_ =	swait.ge [sflag:s14], $0x4000  }
0x127: {  	[sflag:s14] =	ssyncset.done $0x0  }
0x128: {  	[sflag:s14] =	ssyncadd.s32 $0xFFFFC000  }
0x129: {  	[tilespmem:s13], [sflag:$0x1] =	stream.indirect.gather [hbm4b:s0+s16], $0x80, s26, s16, $0xb8;
	[tilespmem:$0x1D000] =	vst v63  }
0x12a: {  	_ =	swait.ge [sflag:s19], $0x4000  }
0x12b: {  	[sflag:s19] =	ssyncset.done $0x0  }
0x12c: {  	[sflag:s19] =	ssyncadd.s32 $0xFFFFC000  }
0x12d: {  	[spmem:s3] =	stream.indirect.scatter.add.f32 [tilespmem:s17], [sflag:$0x3], $0x80, s28, s16, $0xb8;
	[tilespmem:$0x1D000] =	vst v63  }
0x12e: {  	_ =	swait.ge [sflag:s14], $0x4000  }
0x12f: {  	[sflag:s14] =	ssyncset.done $0x0  }
0x130: {  	[sflag:s14] =	ssyncadd.s32 $0xFFFFC000  }
0x131: {  	[tilespmem:s17], [sflag:$0x2] =	stream.indirect.gather [hbm4b:s0+s16], $0x80, s29, s16, $0xb8;
	[tilespmem:$0x1D000] =	vst v63  }
0x132: {  	_ =	swait.ge [sflag:s18], $0x4000  }
0x133: {  	[sflag:s18] =	ssyncset.done $0x0  }
0x134: {  	[sflag:s18] =	ssyncadd.s32 $0xFFFFC000  }
0x135: {  	[spmem:s3] =	stream.indirect.scatter.add.f32 [tilespmem:s13], [sflag:$0x3], $0x80, s30, s16, $0xb8;
	[tilespmem:$0x1D000] =	vst v63  }
0x136: {  	_ =	swait.ge [sflag:s14], $0x4000  }
0x137: {  	[sflag:s14] =	ssyncset.done $0x0  }
0x138: {  	[sflag:s14] =	ssyncadd.s32 $0xFFFFC000  }
0x139: {  	[tilespmem:s13], [sflag:$0x1] =	stream.indirect.gather [hbm4b:s0+s16], $0x80, s31, s16, $0xb8;
	[tilespmem:$0x1D000] =	vst v63  }
0x13a: {  	_ =	swait.ge [sflag:s19], $0x4000  }
0x13b: {  	[sflag:s19] =	ssyncset.done $0x0  }
0x13c: {  	[sflag:s19] =	ssyncadd.s32 $0xFFFFC000  }
0x13d: {  	[spmem:s3] =	stream.indirect.scatter.add.f32 [tilespmem:s17], [sflag:$0x3], $0x80, s1, s16, $0xb8;
	[tilespmem:$0x1D000] =	vst v63  }
0x13e: {  	_ =	swait.ge [sflag:s14], $0x4000  }
0x13f: {  	[sflag:s14] =	ssyncset.done $0x0  }
0x140: {  	[sflag:s14] =	ssyncadd.s32 $0xFFFFC000  }
0x141: {  	[tilespmem:s17], [sflag:$0x2] =	stream.indirect.gather [hbm4b:s0+s16], $0x80, s2, s16, $0xb8;
	[tilespmem:$0x1D000] =	vst v63  }
0x142: {  	_ =	swait.ge [sflag:s18], $0x4000  }
0x143: {  	[sflag:s18] =	ssyncset.done $0x0  }
0x144: {  	[sflag:s18] =	ssyncadd.s32 $0xFFFFC000  }
0x145: {  	[spmem:s3] =	stream.indirect.scatter.add.f32 [tilespmem:s13], [sflag:$0x3], $0x80, s6, s16, $0xb8;
	[tilespmem:$0x1D000] =	vst v63  }
0x146: {  	_ =	swait.ge [sflag:s14], $0x4000  }
0x147: {  	[sflag:s14] =	ssyncset.done $0x0  }
0x148: {  	[sflag:s14] =	ssyncadd.s32 $0xFFFFC000  }
0x149: {  	[tilespmem:s13], [sflag:$0x1] =	stream.indirect.gather [hbm4b:s0+s16], $0x80, s7, s16, $0xb8;
	[tilespmem:$0x1D000] =	vst v63  }
0x14a: {  	_ =	swait.ge [sflag:s19], $0x4000  }
0x14b: {  	[sflag:s19] =	ssyncset.done $0x0  }
0x14c: {  	[sflag:s19] =	ssyncadd.s32 $0xFFFFC000  }
0x14d: {  	[spmem:s3] =	stream.indirect.scatter.add.f32 [tilespmem:s17], [sflag:$0x3], $0x80, s8, s16, $0xb8;
	[tilespmem:$0x1D000] =	vst v63  }
0x14e: {  	_ =	swait.ge [sflag:s14], $0x4000  }
0x14f: {  	[sflag:s14] =	ssyncset.done $0x0  }
0x150: {  	[sflag:s14] =	ssyncadd.s32 $0xFFFFC000  }
0x151: {  	[tilespmem:s17], [sflag:$0x2] =	stream.indirect.gather [hbm4b:s0+s16], $0x80, s9, s16, $0xb8;
	[tilespmem:$0x1D000] =	vst v63  }
0x152: {  	_ =	swait.ge [sflag:s18], $0x4000  }
0x153: {  	[sflag:s18] =	ssyncset.done $0x0  }
0x154: {  	[sflag:s18] =	ssyncadd.s32 $0xFFFFC000  }
0x155: {  	[spmem:s3] =	stream.indirect.scatter.add.f32 [tilespmem:s13], [sflag:$0x3], $0x80, s10, s16, $0xb8;
	[tilespmem:$0x1D000] =	vst v63  }
0x156: {  	_ =	swait.ge [sflag:s14], $0x4000  }
0x157: {  	[sflag:s14] =	ssyncset.done $0x0  }
0x158: {  	[sflag:s14] =	ssyncadd.s32 $0xFFFFC000  }
0x159: {  	p1 =	sne.s32 s25, $0x400;
	_ =	swait.ge [sflag:s19], $0x4000  }
.Ltmp1:
0x15a: {  	[sflag:s19] =	ssyncset.done $0x0;
	(pc) =	sbr.rel @p1 .LBB2_4-.Ltmp1, $4  }
0x15b: {  	[sflag:s19] =	ssyncadd.s32 $0xFFFFC000  }
0x15c: {  	[spmem:s3] =	stream.indirect.scatter.add.f32 [tilespmem:s17], [sflag:$0x3], $0x80, s11, s16, $0xb8;
	[tilespmem:$0x1D000] =	vst v63  }
0x15d: {  	_ =	swait.ge [sflag:s14], $0x4000  }
0x15e: {  	s25 =	sadd.s32 $0x100, s25;
	s5 =	rddreg [dreg:$0x6];
	[sflag:s14] =	ssyncset.done $0x0  }
0x15f: {  	[sflag:s14] =	ssyncadd.s32 $0xFFFFC000;
	s5 =	sadd.s32 s24, s5  }
0x160: {  	[tilespmem:s4], [sflag:$0x3] =	stream.linear.gather [hbm4b:s5+s4], $0x800, $0x38;
	[tilespmem:$0x1D000] =	vst v63  }
0x161: {  	_ =	swait.ge [sflag:s14], $0x800  }
0x162: {  	s12 =	rddreg [dreg:$0x5];
	[sflag:s14] =	ssyncset.done $0x0  }
0x163: {  	s5 =	sadd.s32 s24, s12;
	[sflag:s14] =	ssyncadd.s32 $0xFFFFF800  }
0x164: {  	[tilespmem:s15], [sflag:$0x3] =	stream.linear.gather [hbm4b:s5+s4], $0x800, $0x38;
	[tilespmem:$0x1D000] =	vst v63  }
0x165: {  	_ =	swait.ge [sflag:s14], $0x800  }
0x166: {  	[sflag:s14] =	ssyncset.done $0x0  }
0x167: {  	[sflag:s14] =	ssyncadd.s32 $0xFFFFF800  }
0x168: {  	[tilespmem:s13], [sflag:$0x1] =	stream.indirect.gather [hbm4b:s0+s16], $0x80, s4, s16, $0xb8;
	[tilespmem:$0x1D000] =	vst v63  }
0x169: {  	_ = 	snop  }
0x16a: {  	[tilespmem:s17], [sflag:$0x2] =	stream.indirect.gather [hbm4b:s0+s16], $0x80, s16, s16, $0xb8;
	[tilespmem:$0x1D000] =	vst v63  }
0x16b: {  	_ =	swait.ge [sflag:s18], $0x4000  }
0x16c: {  	[sflag:s18] =	ssyncset.done $0x0  }
0x16d: {  	[sflag:s18] =	ssyncadd.s32 $0xFFFFC000  }
0x16e: {  	[spmem:s3] =	stream.indirect.scatter.add.f32 [tilespmem:s13], [sflag:$0x3], $0x80, s15, s16, $0xb8;
	[tilespmem:$0x1D000] =	vst v63  }
0x16f: {  	_ =	swait.ge [sflag:s14], $0x4000  }
0x170: {  	[sflag:s14] =	ssyncset.done $0x0  }
0x171: {  	s24 =	rddreg [dreg:$0x7];
	[sflag:s14] =	ssyncadd.s32 $0xFFFFC000  }
0x172: {  	[tilespmem:s13], [sflag:$0x1] =	stream.indirect.gather [hbm4b:s0+s16], $0x80, s24, s16, $0xb8;
	[tilespmem:$0x1D000] =	vst v63  }
0x173: {  	_ =	swait.ge [sflag:s19], $0x4000  }
0x174: {  	[sflag:s19] =	ssyncset.done $0x0  }
0x175: {  	s25 =	rddreg [dreg:$0x8];
	[sflag:s19] =	ssyncadd.s32 $0xFFFFC000  }
0x176: {  	[spmem:s3] =	stream.indirect.scatter.add.f32 [tilespmem:s17], [sflag:$0x3], $0x80, s25, s16, $0xb8;
	[tilespmem:$0x1D000] =	vst v63  }
0x177: {  	_ =	swait.ge [sflag:s14], $0x4000  }
0x178: {  	[sflag:s14] =	ssyncset.done $0x0  }
0x179: {  	s12 =	rddreg [dreg:$0x9];
	[sflag:s14] =	ssyncadd.s32 $0xFFFFC000  }
0x17a: {  	[tilespmem:s17], [sflag:$0x2] =	stream.indirect.gather [hbm4b:s0+s16], $0x80, s12, s16, $0xb8;
	[tilespmem:$0x1D000] =	vst v63  }
0x17b: {  	_ =	swait.ge [sflag:s18], $0x4000  }
0x17c: {  	[sflag:s18] =	ssyncset.done $0x0  }
0x17d: {  	s24 =	rddreg [dreg:$0xa];
	[sflag:s18] =	ssyncadd.s32 $0xFFFFC000  }
0x17e: {  	[spmem:s3] =	stream.indirect.scatter.add.f32 [tilespmem:s13], [sflag:$0x3], $0x80, s24, s16, $0xb8;
	[tilespmem:$0x1D000] =	vst v63  }
0x17f: {  	_ =	swait.ge [sflag:s14], $0x4000  }
0x180: {  	[sflag:s14] =	ssyncset.done $0x0  }
0x181: {  	s25 =	rddreg [dreg:$0xb];
	[sflag:s14] =	ssyncadd.s32 $0xFFFFC000  }
0x182: {  	[tilespmem:s13], [sflag:$0x1] =	stream.indirect.gather [hbm4b:s0+s16], $0x80, s25, s16, $0xb8;
	[tilespmem:$0x1D000] =	vst v63  }
0x183: {  	_ =	swait.ge [sflag:s19], $0x4000  }
0x184: {  	[sflag:s19] =	ssyncset.done $0x0  }
0x185: {  	s12 =	rddreg [dreg:$0xc];
	[sflag:s19] =	ssyncadd.s32 $0xFFFFC000  }
0x186: {  	[spmem:s3] =	stream.indirect.scatter.add.f32 [tilespmem:s17], [sflag:$0x3], $0x80, s12, s16, $0xb8;
	[tilespmem:$0x1D000] =	vst v63  }
0x187: {  	_ =	swait.ge [sflag:s14], $0x4000  }
0x188: {  	[sflag:s14] =	ssyncset.done $0x0  }
0x189: {  	s24 =	rddreg [dreg:$0xd];
	[sflag:s14] =	ssyncadd.s32 $0xFFFFC000  }
0x18a: {  	[tilespmem:s17], [sflag:$0x2] =	stream.indirect.gather [hbm4b:s0+s16], $0x80, s24, s16, $0xb8;
	[tilespmem:$0x1D000] =	vst v63  }
0x18b: {  	_ =	swait.ge [sflag:s18], $0x4000  }
0x18c: {  	[sflag:s18] =	ssyncset.done $0x0  }
0x18d: {  	s25 =	rddreg [dreg:$0xe];
	[sflag:s18] =	ssyncadd.s32 $0xFFFFC000  }
0x18e: {  	[spmem:s3] =	stream.indirect.scatter.add.f32 [tilespmem:s13], [sflag:$0x3], $0x80, s25, s16, $0xb8;
	[tilespmem:$0x1D000] =	vst v63  }
0x18f: {  	_ =	swait.ge [sflag:s14], $0x4000  }
0x190: {  	[sflag:s14] =	ssyncset.done $0x0  }
0x191: {  	s12 =	rddreg [dreg:$0xf];
	[sflag:s14] =	ssyncadd.s32 $0xFFFFC000  }
0x192: {  	[tilespmem:s13], [sflag:$0x1] =	stream.indirect.gather [hbm4b:s0+s16], $0x80, s12, s16, $0xb8;
	[tilespmem:$0x1D000] =	vst v63  }
0x193: {  	_ =	swait.ge [sflag:s19], $0x4000  }
0x194: {  	[sflag:s19] =	ssyncset.done $0x0  }
0x195: {  	s24 =	rddreg [dreg:$0x10];
	[sflag:s19] =	ssyncadd.s32 $0xFFFFC000  }
0x196: {  	[spmem:s3] =	stream.indirect.scatter.add.f32 [tilespmem:s17], [sflag:$0x3], $0x80, s24, s16, $0xb8;
	[tilespmem:$0x1D000] =	vst v63  }
0x197: {  	_ =	swait.ge [sflag:s14], $0x4000  }
0x198: {  	[sflag:s14] =	ssyncset.done $0x0  }
0x199: {  	s25 =	rddreg [dreg:$0x11];
	[sflag:s14] =	ssyncadd.s32 $0xFFFFC000  }
0x19a: {  	[tilespmem:s17], [sflag:$0x2] =	stream.indirect.gather [hbm4b:s0+s16], $0x80, s25, s16, $0xb8;
	[tilespmem:$0x1D000] =	vst v63  }
0x19b: {  	_ =	swait.ge [sflag:s18], $0x4000  }
0x19c: {  	[sflag:s18] =	ssyncset.done $0x0  }
0x19d: {  	s12 =	rddreg [dreg:$0x12];
	[sflag:s18] =	ssyncadd.s32 $0xFFFFC000  }
0x19e: {  	[spmem:s3] =	stream.indirect.scatter.add.f32 [tilespmem:s13], [sflag:$0x3], $0x80, s12, s16, $0xb8;
	[tilespmem:$0x1D000] =	vst v63  }
0x19f: {  	_ =	swait.ge [sflag:s14], $0x4000  }
0x1a0: {  	[sflag:s14] =	ssyncset.done $0x0  }
0x1a1: {  	[sflag:s14] =	ssyncadd.s32 $0xFFFFC000  }
0x1a2: {  	[tilespmem:s13], [sflag:$0x1] =	stream.indirect.gather [hbm4b:s0+s16], $0x80, s20, s16, $0xb8;
	[tilespmem:$0x1D000] =	vst v63  }
0x1a3: {  	_ =	swait.ge [sflag:s19], $0x4000  }
0x1a4: {  	[sflag:s19] =	ssyncset.done $0x0  }
0x1a5: {  	[sflag:s19] =	ssyncadd.s32 $0xFFFFC000  }
0x1a6: {  	[spmem:s3] =	stream.indirect.scatter.add.f32 [tilespmem:s17], [sflag:$0x3], $0x80, s21, s16, $0xb8;
	[tilespmem:$0x1D000] =	vst v63  }
0x1a7: {  	_ =	swait.ge [sflag:s14], $0x4000  }
0x1a8: {  	[sflag:s14] =	ssyncset.done $0x0  }
0x1a9: {  	[sflag:s14] =	ssyncadd.s32 $0xFFFFC000  }
0x1aa: {  	[tilespmem:s17], [sflag:$0x2] =	stream.indirect.gather [hbm4b:s0+s16], $0x80, s22, s16, $0xb8;
	[tilespmem:$0x1D000] =	vst v63  }
0x1ab: {  	_ =	swait.ge [sflag:s18], $0x4000  }
0x1ac: {  	[sflag:s18] =	ssyncset.done $0x0  }
0x1ad: {  	[sflag:s18] =	ssyncadd.s32 $0xFFFFC000  }
0x1ae: {  	[spmem:s3] =	stream.indirect.scatter.add.f32 [tilespmem:s13], [sflag:$0x3], $0x80, s23, s16, $0xb8;
	[tilespmem:$0x1D000] =	vst v63  }
0x1af: {  	_ =	swait.ge [sflag:s14], $0x4000  }
0x1b0: {  	[sflag:s14] =	ssyncset.done $0x0  }
0x1b1: {  	[sflag:s14] =	ssyncadd.s32 $0xFFFFC000  }
0x1b2: {  	[tilespmem:s13], [sflag:$0x1] =	stream.indirect.gather [hbm4b:s0+s16], $0x80, s26, s16, $0xb8;
	[tilespmem:$0x1D000] =	vst v63  }
0x1b3: {  	_ =	swait.ge [sflag:s19], $0x4000  }
0x1b4: {  	[sflag:s19] =	ssyncset.done $0x0  }
0x1b5: {  	[sflag:s19] =	ssyncadd.s32 $0xFFFFC000  }
0x1b6: {  	[spmem:s3] =	stream.indirect.scatter.add.f32 [tilespmem:s17], [sflag:$0x3], $0x80, s28, s16, $0xb8;
	[tilespmem:$0x1D000] =	vst v63  }
0x1b7: {  	_ =	swait.ge [sflag:s14], $0x4000  }
0x1b8: {  	[sflag:s14] =	ssyncset.done $0x0  }
0x1b9: {  	[sflag:s14] =	ssyncadd.s32 $0xFFFFC000  }
0x1ba: {  	[tilespmem:s17], [sflag:$0x2] =	stream.indirect.gather [hbm4b:s0+s16], $0x80, s29, s16, $0xb8;
	[tilespmem:$0x1D000] =	vst v63  }
0x1bb: {  	_ =	swait.ge [sflag:s18], $0x4000  }
0x1bc: {  	[sflag:s18] =	ssyncset.done $0x0  }
0x1bd: {  	[sflag:s18] =	ssyncadd.s32 $0xFFFFC000  }
0x1be: {  	[spmem:s3] =	stream.indirect.scatter.add.f32 [tilespmem:s13], [sflag:$0x3], $0x80, s30, s16, $0xb8;
	[tilespmem:$0x1D000] =	vst v63  }
0x1bf: {  	_ =	swait.ge [sflag:s14], $0x4000  }
0x1c0: {  	[sflag:s14] =	ssyncset.done $0x0  }
0x1c1: {  	[sflag:s14] =	ssyncadd.s32 $0xFFFFC000  }
0x1c2: {  	[tilespmem:s13], [sflag:$0x1] =	stream.indirect.gather [hbm4b:s0+s16], $0x80, s31, s16, $0xb8;
	[tilespmem:$0x1D000] =	vst v63  }
0x1c3: {  	_ =	swait.ge [sflag:s19], $0x4000  }
0x1c4: {  	[sflag:s19] =	ssyncset.done $0x0  }
0x1c5: {  	[sflag:s19] =	ssyncadd.s32 $0xFFFFC000  }
0x1c6: {  	[spmem:s3] =	stream.indirect.scatter.add.f32 [tilespmem:s17], [sflag:$0x3], $0x80, s1, s16, $0xb8;
	[tilespmem:$0x1D000] =	vst v63  }
0x1c7: {  	_ =	swait.ge [sflag:s14], $0x4000  }
0x1c8: {  	[sflag:s14] =	ssyncset.done $0x0  }
0x1c9: {  	[sflag:s14] =	ssyncadd.s32 $0xFFFFC000  }
0x1ca: {  	[tilespmem:s17], [sflag:$0x2] =	stream.indirect.gather [hbm4b:s0+s16], $0x80, s2, s16, $0xb8;
	[tilespmem:$0x1D000] =	vst v63  }
0x1cb: {  	_ =	swait.ge [sflag:s18], $0x4000  }
0x1cc: {  	[sflag:s18] =	ssyncset.done $0x0  }
0x1cd: {  	[sflag:s18] =	ssyncadd.s32 $0xFFFFC000  }
0x1ce: {  	[spmem:s3] =	stream.indirect.scatter.add.f32 [tilespmem:s13], [sflag:$0x3], $0x80, s6, s16, $0xb8;
	[tilespmem:$0x1D000] =	vst v63  }
0x1cf: {  	_ =	swait.ge [sflag:s14], $0x4000  }
0x1d0: {  	[sflag:s14] =	ssyncset.done $0x0  }
0x1d1: {  	[sflag:s14] =	ssyncadd.s32 $0xFFFFC000  }
0x1d2: {  	[tilespmem:s13], [sflag:$0x1] =	stream.indirect.gather [hbm4b:s0+s16], $0x80, s7, s16, $0xb8;
	[tilespmem:$0x1D000] =	vst v63  }
0x1d3: {  	_ =	swait.ge [sflag:s19], $0x4000  }
0x1d4: {  	[sflag:s19] =	ssyncset.done $0x0  }
0x1d5: {  	[sflag:s19] =	ssyncadd.s32 $0xFFFFC000  }
0x1d6: {  	[spmem:s3] =	stream.indirect.scatter.add.f32 [tilespmem:s17], [sflag:$0x3], $0x80, s8, s16, $0xb8;
	[tilespmem:$0x1D000] =	vst v63  }
0x1d7: {  	_ =	swait.ge [sflag:s14], $0x4000  }
0x1d8: {  	[sflag:s14] =	ssyncset.done $0x0  }
0x1d9: {  	[sflag:s14] =	ssyncadd.s32 $0xFFFFC000  }
0x1da: {  	[tilespmem:s17], [sflag:$0x2] =	stream.indirect.gather [hbm4b:s0+s16], $0x80, s9, s16, $0xb8;
	[tilespmem:$0x1D000] =	vst v63  }
0x1db: {  	_ =	swait.ge [sflag:s18], $0x4000  }
0x1dc: {  	[sflag:s18] =	ssyncset.done $0x0  }
0x1dd: {  	[sflag:s18] =	ssyncadd.s32 $0xFFFFC000  }
0x1de: {  	[spmem:s3] =	stream.indirect.scatter.add.f32 [tilespmem:s13], [sflag:$0x3], $0x80, s10, s16, $0xb8;
	[tilespmem:$0x1D000] =	vst v63  }
0x1df: {  	_ =	swait.ge [sflag:s14], $0x4000  }
0x1e0: {  	[sflag:s14] =	ssyncset.done $0x0  }
0x1e1: {  	[sflag:s14] =	ssyncadd.s32 $0xFFFFC000  }
0x1e2: {  	_ =	swait.ge [sflag:s19], $0x4000  }
0x1e3: {  	[sflag:s19] =	ssyncset.done $0x0  }
0x1e4: {  	[sflag:s19] =	ssyncadd.s32 $0xFFFFC000  }
0x1e5: {  	[spmem:s3] =	stream.indirect.scatter.add.f32 [tilespmem:s17], [sflag:$0x3], $0x80, s11, s16, $0xb8;
	[tilespmem:$0x1D000] =	vst v63  }
0x1e6: {  	_ =	swait.ge [sflag:s14], $0x4000  }
0x1e7: {  	[sflag:s14] =	ssyncset.done $0x0  }
0x1e8: {  	[sflag:s14] =	ssyncadd.s32 $0xFFFFC000  }
0x1e9: {  	s24 =	stileid.u32;
	[bflag:$0x0] =	sbarrier.arrive $0xFFFF  }
0x1ea: {  	s5 =	sshll.u32 s24, $0x6;
	s12 =	rddreg [dreg:$0x14]  }
0x1eb: {  	s5 =	sor.u32 $0x1C03, s5;
	s25 =	rddreg [dreg:$0x1b]  }
0x1ec: {  	[hbm:s12], [sflag:s5] =	dma.local [spmem:s25], $0x2700  }
0x1ed: {  	_ =	swait.ge [sflag:s14], $0x2700  }
0x1ee: {  	[sflag:s14] =	ssyncset.done $0x0;
	s12 =	rddreg [dreg:$0x15]  }
0x1ef: {  	s24 =	rddreg [dreg:$0x1c];
	[sflag:s14] =	ssyncadd.s32 $0xFFFFD900  }
0x1f0: {  	[hbm:s12], [sflag:s5] =	dma.local @!p0 [spmem:s24], $0x100  }
0x1f1: {  	s5 =	simm.s32 @!p0 $0x3  }
0x1f2: {  	_ =	swait.ge @!p0 [sflag:s5], $0x100  }
0x1f3: {  	s12 =	rddreg [dreg:$0x1d]  }
0x1f4: {  	s25 =	rddreg [dreg:$0x16];
	s24 =	sadd.s32 $0x1, s12  }
0x1f5: {  	p1 =	sne.s32 s24, s25  }
.Ltmp2:
0x1f6: {  	_ = 	snop;
	(pc) =	sbr.rel @p1 .LBB2_1-.Ltmp2, $3  }
0x1f7: {  	_ =	sdelay $0x1  }
0x1f8: {  	[sflag:s5] =	ssyncset.done @!p0 $0x0  }
0x1f9: {  	[sflag:s5] =	ssyncadd.s32 @!p0 $0xFFFFFF00  }
0x1fa: {  	_ =	sfence.sel $0x180000  }
0x1fb: {  	[bflag:$0x0] =	sbarrier.arrive $0xFFFF  }
0x1fc: {  	_ =	strace $0x90000047  }
0x1fd: {  	[bflag:$0x2] =	sbarrier.arrive $0xFFFF  }
0x1fe: {  	s0 =	rddreg [dreg:$0x4]  }
0x1ff: {  	s0 =	sadd.s32 @!p0 $0x100000, s0  }
0x200: {  	[sflag:s0] =	ssyncadd.tile.s32 @!p0 $0x1;
	_ =	shalt  }
.Lfunc_end2:
_tile_overlayer_lowered:
.L_overlay_start_2:
0x201: {  	(tag) =	ssettag $0x2  }
0x202: {  	s0 =	rddreg [dreg:$0x0];
	s2 =	stileid.u32  }
0x203: {  	s1 =	rddreg [dreg:$0x1];
	p0 =	sne.s32 s2, $0x0  }
0x204: {  	s3 =	rddreg [dreg:$0x2];
	[bflag:$0x3] =	sbarrier.arrive $0xFFFF;
	s2 =	simm.s32 @!p0 $0x1C03  }
0x205: {  	[timem:s3], [sflag:s2] =	dma.local @!p0 [hbm:s0], s1  }
0x206: {  	s0 =	simm.s32 @!p0 $0x3  }
0x207: {  	_ =	swait.ge @!p0 [sflag:s0], s1  }
0x208: {  	s1 =	ssub.s32 @!p0 $0x0, s1;
	[sflag:s0] =	ssyncset.done @!p0 $0x0  }
0x209: {  	[sflag:s0] =	ssyncadd.s32 @!p0 s1  }
0x20a: {  	[bflag:$0x3] =	sbarrier.arrive $0xFFFF  }
0x20b: {  	_ =	shalt  }

</sc_bundles>
